<compile_context>
chip_gen: v7x
topology: tpu7x:2x2x1
jax: 0.10.2.dev20260603
libtpu: 0.0.44.dev20260713+nightly
codegen_flags: <defaults>
</compile_context>

<pallas_src>
import functools

import jax
import jax.numpy as jnp
from jax import lax
from jax.experimental import pallas as pl

B, S, D_IN, D_HID, D_OUT = 4, 2048, 1024, 1024, 1024
N_PIECES = 20
S_BLK = 256
C_BLK = 128


def _phi_kernel(x_ref, w1_ref, b1_ref, w2_ref, b2_ref, o_ref):
    xb = x_ref[0].astype(jnp.bfloat16)
    hm = jnp.dot(xb, w1_ref[...].astype(jnp.bfloat16),
                 preferred_element_type=jnp.float32)
    hm = jnp.maximum(hm + b1_ref[...], 0.0).astype(jnp.bfloat16)
    h = jnp.dot(hm, w2_ref[...].astype(jnp.bfloat16),
                preferred_element_type=jnp.float32)
    o_ref[0] = h + b2_ref[...]


def _ce_aligned(g, n, c, d):
    m = n // (2 * d)
    x4 = g.reshape(m, 2, d, c)
    mn = jnp.minimum(x4[:, 0], x4[:, 1])
    mx = jnp.maximum(x4[:, 0], x4[:, 1])
    return jnp.concatenate([mn[:, None], mx[:, None]], axis=1).reshape(n, c)


def _ce_small(g, ri, d):
    down = jnp.roll(g, -d, axis=0)
    up = jnp.roll(g, d, axis=0)
    is_first = (ri & d) == 0
    partner = jnp.where(is_first, down, up)
    mn = jnp.minimum(g, partner)
    mx = jnp.maximum(g, partner)
    return jnp.where(is_first, mn, mx)


_TAU = (3, 4, 5, 6, 7, 8, 9, 10, 2, 1, 0)


def _bitonic_sort_net(g, n, c):
    log_n = n.bit_length() - 1
    ri = lax.broadcasted_iota(jnp.int32, (n, 1), 0)
    for ks in range(1, log_n + 1):
        sign = None
        if ks < log_n:
            szb = 1 << _TAU[ks]
            sign = jnp.where((ri & szb) == 0, 1.0, -1.0).astype(g.dtype)
            g = g * sign
        for js in range(ks - 1, -1, -1):
            d = 1 << _TAU[js]
            if d >= 8:
                g = _ce_aligned(g, n, c, d)
            else:
                g = _ce_small(g, ri, d)
        if sign is not None:
            g = g * sign
    return g


def _net_position(n):
    r = jnp.arange(n, dtype=jnp.int32)
    p = jnp.zeros_like(r)
    for j, t in enumerate(_TAU):
        p = p | (((r >> t) & 1) << j)
    return p


def _sortpool_kernel(h_ref, wt_ref, o_ref):
    g = -h_ref[0]
    g = _bitonic_sort_net(g, S, C_BLK)
    o_ref[0, 0, :] = -jnp.sum(g * wt_ref[...], axis=0)


def _rho_kernel(p_ref, w1_ref, b1_ref, w2_ref, b2_ref, o_ref):
    r = jnp.dot(p_ref[...], w1_ref[...], preferred_element_type=jnp.float32)
    r = jnp.maximum(r + b1_ref[...], 0.0)
    o = jnp.dot(r, w2_ref[...], preferred_element_type=jnp.float32)
    o_ref[...] = o + b2_ref[...]


@functools.partial(jax.jit, static_argnames=())
def kernel(x, phi_w1, phi_b1, phi_w2, phi_b2, pool_weight,
           rho_w1, rho_b1, rho_w2, rho_b2):
    f32 = jnp.float32

    h = pl.pallas_call(
        _phi_kernel,
        grid=(B, S // S_BLK),
        in_specs=[
            pl.BlockSpec((1, S_BLK, D_IN), lambda b, s: (b, s, 0)),
            pl.BlockSpec((D_IN, D_HID), lambda b, s: (0, 0)),
            pl.BlockSpec((1, D_HID), lambda b, s: (0, 0)),
            pl.BlockSpec((D_HID, D_HID), lambda b, s: (0, 0)),
            pl.BlockSpec((1, D_HID), lambda b, s: (0, 0)),
        ],
        out_specs=pl.BlockSpec((1, S_BLK, D_HID), lambda b, s: (b, s, 0)),
        out_shape=jax.ShapeDtypeStruct((B, S, D_HID), f32),
    )(x, phi_w1, phi_b1.reshape(1, -1), phi_w2, phi_b2.reshape(1, -1))

    pos = jnp.arange(S, dtype=f32) / jnp.maximum(1.0, float(S - 1))
    index = N_PIECES * pos
    idx = index.astype(jnp.int32)
    frac = index - idx.astype(f32)
    left = jnp.take(pool_weight, idx, axis=1)
    right = jnp.take(pool_weight, jnp.minimum(idx + 1, N_PIECES), axis=1)
    w = (1.0 - frac)[None, :] * left + frac[None, :] * right
    wt = w.T[_net_position(S)]

    pooled = pl.pallas_call(
        _sortpool_kernel,
        grid=(B, D_HID // C_BLK),
        in_specs=[
            pl.BlockSpec((1, S, C_BLK), lambda b, c: (b, 0, c)),
            pl.BlockSpec((S, C_BLK), lambda b, c: (0, c)),
        ],
        out_specs=pl.BlockSpec((1, 1, C_BLK), lambda b, c: (b, 0, c)),
        out_shape=jax.ShapeDtypeStruct((B, 1, D_HID), f32),
    )(h, wt)
    pooled = pooled.reshape(B, D_HID)

    out = pl.pallas_call(
        _rho_kernel,
        in_specs=[
            pl.BlockSpec((B, D_HID), lambda: (0, 0)),
            pl.BlockSpec((D_HID, D_HID), lambda: (0, 0)),
            pl.BlockSpec((1, D_HID), lambda: (0, 0)),
            pl.BlockSpec((D_HID, D_OUT), lambda: (0, 0)),
            pl.BlockSpec((1, D_OUT), lambda: (0, 0)),
        ],
        out_specs=pl.BlockSpec((B, D_OUT), lambda: (0, 0)),
        out_shape=jax.ShapeDtypeStruct((B, D_OUT), f32),
    )(pooled, rho_w1, rho_b1.reshape(1, -1), rho_w2, rho_b2.reshape(1, -1))

    return out

# --- scband reference (transcript-rebuilt; emitter-appended) ---
"""Pipeline reference for scband-deep-sets-invariant-fspool-73882027426464 (READ-ONLY COPY).

The authoritative reference and input builder live on the scoring server;
editing this copy changes nothing except your own understanding.
"""

import jax, jax.numpy as jnp
import numpy as np

B, S, D_IN, D_HID, D_OUT = 4, 2048, 1024, 1024, 1024
N_PIECES = 20


def setup_inputs(seed: int = 0) -> dict:
    key = jax.random.key(seed)
    ks = jax.random.split(key, 10)
    x = jax.random.normal(ks[0], (B, S, D_IN), dtype=jnp.float32)
    phi_w1 = jax.random.normal(ks[1], (D_IN, D_HID), dtype=jnp.float32) * (1.0 / np.sqrt(D_IN))
    phi_b1 = jnp.zeros((D_HID,), dtype=jnp.float32)
    phi_w2 = jax.random.normal(ks[2], (D_HID, D_HID), dtype=jnp.float32) * (1.0 / np.sqrt(D_HID))
    phi_b2 = jnp.zeros((D_HID,), dtype=jnp.float32)
    pool_weight = jax.random.normal(ks[3], (D_HID, N_PIECES + 1), dtype=jnp.float32) * 0.1
    rho_w1 = jax.random.normal(ks[4], (D_HID, D_HID), dtype=jnp.float32) * (1.0 / np.sqrt(D_HID))
    rho_b1 = jnp.zeros((D_HID,), dtype=jnp.float32)
    rho_w2 = jax.random.normal(ks[5], (D_HID, D_OUT), dtype=jnp.float32) * (1.0 / np.sqrt(D_HID))
    rho_b2 = jnp.zeros((D_OUT,), dtype=jnp.float32)
    return {"x": x, "phi_w1": phi_w1, "phi_b1": phi_b1, "phi_w2": phi_w2, "phi_b2": phi_b2,
            "pool_weight": pool_weight, "rho_w1": rho_w1, "rho_b1": rho_b1, "rho_w2": rho_w2, "rho_b2": rho_b2}


def reference(x, phi_w1, phi_b1, phi_w2, phi_b2, pool_weight, rho_w1, rho_b1, rho_w2, rho_b2):
    # phi: elementwise-on-set MLP  [B, S, D_IN] -> [B, S, D_HID]
    h = jax.nn.relu(jnp.dot(x, phi_w1) + phi_b1)
    h = jnp.dot(h, phi_w2) + phi_b2
    # permute to [B, C, S]
    h = jnp.transpose(h, (0, 2, 1))
    # FSPool: featurewise sort descending along set dim
    sorted_h = -jnp.sort(-h, axis=2)
    # continuous piecewise-linear weights evaluated at relative positions i/(S-1)
    pos = jnp.arange(S, dtype=jnp.float32) / jnp.maximum(1.0, float(S - 1))
    index = N_PIECES * pos  # [S], values in [0, N_PIECES]
    idx = index.astype(jnp.int32)
    frac = index - idx.astype(jnp.float32)
    left = jnp.take(pool_weight, idx, axis=1)                          # [C, S]
    right = jnp.take(pool_weight, jnp.minimum(idx + 1, N_PIECES), axis=1)  # [C, S]
    w = (1.0 - frac)[None, :] * left + frac[None, :] * right           # [C, S]
    pooled = jnp.sum(sorted_h * w[None, :, :], axis=2)                 # [B, C]
    # rho: MLP on pooled representation
    out = jax.nn.relu(jnp.dot(pooled, rho_w1) + rho_b1)
    out = jnp.dot(out, rho_w2) + rho_b2
    return out

if __name__ == "__main__":
    import jax
    _d = setup_inputs()
    print(jax.jit(kernel)(*tuple(_d.values())))

</pallas_src>

<mosaic_0001>
module attributes {stable_mosaic.version = 14 : i64} {
  func.func @_phi_kernel(%arg0: i32, %arg1: i32, %arg2: memref<1x256x1024xf32, #tpu.memory_space<vmem>>, %arg3: memref<1024x1024xf32, #tpu.memory_space<vmem>>, %arg4: memref<1x1024xf32, #tpu.memory_space<vmem>>, %arg5: memref<1024x1024xf32, #tpu.memory_space<vmem>>, %arg6: memref<1x1024xf32, #tpu.memory_space<vmem>>, %arg7: memref<1x256x1024xf32, #tpu.memory_space<vmem>>) attributes {dimension_semantics = [#tpu.dimension_semantics<arbitrary>, #tpu.dimension_semantics<arbitrary>], iteration_bounds = array<i64: 4, 8>, scalar_prefetch = 0 : i64, scratch_operands = 0 : i64, tpu.core_type = #tpu.core_type<tc>, window_params = [{transform_indices = @transform_0, window_bounds = array<i64: 1, 256, 1024>}, {pipeline_mode = #tpu.pipeline_mode<synchronous>, transform_indices = @transform_1, window_bounds = array<i64: 1024, 1024>}, {pipeline_mode = #tpu.pipeline_mode<synchronous>, transform_indices = @transform_2, window_bounds = array<i64: 1, 1024>}, {pipeline_mode = #tpu.pipeline_mode<synchronous>, transform_indices = @transform_3, window_bounds = array<i64: 1024, 1024>}, {pipeline_mode = #tpu.pipeline_mode<synchronous>, transform_indices = @transform_4, window_bounds = array<i64: 1, 1024>}, {transform_indices = @transform_5, window_bounds = array<i64: 1, 256, 1024>}]} {
    %get3A = arith.constant 0 : index
    %get3A_0 = arith.constant 0 : index
    %get3A_1 = arith.constant 0 : index
    %get3A_2 = vector.load %arg2[%get3A, %get3A_0, %get3A_1] : memref<1x256x1024xf32, #tpu.memory_space<vmem>>, vector<1x256x1024xf32>
    %get3A_3 = vector.shape_cast %get3A_2 : vector<1x256x1024xf32> to vector<256x1024xf32>
    %convert_element_type3A = arith.truncf %get3A_3 : vector<256x1024xf32> to vector<256x1024xbf16>
    %get3A_4 = arith.constant 0 : index
    %get3A_5 = arith.constant 0 : index
    %get3A_6 = vector.load %arg3[%get3A_4, %get3A_5] : memref<1024x1024xf32, #tpu.memory_space<vmem>>, vector<1024x1024xf32>
    %convert_element_type3A_7 = arith.truncf %get3A_6 : vector<1024x1024xf32> to vector<1024x1024xbf16>
    %dot_general3A = arith.constant dense<0.000000e+00> : vector<256x1024xf32>
    %dot_general3A_8 = tpu.matmul %convert_element_type3A, %convert_element_type3A_7, %dot_general3A {dimension_numbers = #tpu.dot_dimension_numbers<[1], [0], [0], [1], [0, 0, 1, 1], [], []>, transpose_lhs_hint = false} : vector<256x1024xbf16>, vector<1024x1024xbf16>, vector<256x1024xf32> -> vector<256x1024xf32>
    %get3A_9 = arith.constant 0 : index
    %get3A_10 = arith.constant 0 : index
    %get3A_11 = vector.load %arg4[%get3A_9, %get3A_10] : memref<1x1024xf32, #tpu.memory_space<vmem>>, vector<1x1024xf32>
    %add3A = vector.broadcast %get3A_11 : vector<1x1024xf32> to vector<256x1024xf32>
    %add3A_12 = arith.addf %dot_general3A_8, %add3A : vector<256x1024xf32>
    %max3A = arith.constant 0.000000e+00 : f32
    %max3A_13 = vector.broadcast %max3A : f32 to vector<256x1024xf32>
    %max3A_14 = arith.maximumf %add3A_12, %max3A_13 : vector<256x1024xf32>
    %convert_element_type3A_15 = arith.truncf %max3A_14 : vector<256x1024xf32> to vector<256x1024xbf16>
    %get3A_16 = arith.constant 0 : index
    %get3A_17 = arith.constant 0 : index
    %get3A_18 = vector.load %arg5[%get3A_16, %get3A_17] : memref<1024x1024xf32, #tpu.memory_space<vmem>>, vector<1024x1024xf32>
    %convert_element_type3A_19 = arith.truncf %get3A_18 : vector<1024x1024xf32> to vector<1024x1024xbf16>
    %dot_general3A_20 = arith.constant dense<0.000000e+00> : vector<256x1024xf32>
    %dot_general3A_21 = tpu.matmul %convert_element_type3A_15, %convert_element_type3A_19, %dot_general3A_20 {dimension_numbers = #tpu.dot_dimension_numbers<[1], [0], [0], [1], [0, 0, 1, 1], [], []>, transpose_lhs_hint = false} : vector<256x1024xbf16>, vector<1024x1024xbf16>, vector<256x1024xf32> -> vector<256x1024xf32>
    %get3A_22 = arith.constant 0 : index
    %get3A_23 = arith.constant 0 : index
    %get3A_24 = vector.load %arg6[%get3A_22, %get3A_23] : memref<1x1024xf32, #tpu.memory_space<vmem>>, vector<1x1024xf32>
    %add3A_25 = vector.broadcast %get3A_24 : vector<1x1024xf32> to vector<256x1024xf32>
    %add3A_26 = arith.addf %dot_general3A_21, %add3A_25 : vector<256x1024xf32>
    %swap3A = arith.constant 0 : index
    %swap3A_27 = arith.constant 0 : index
    %swap3A_28 = arith.constant 0 : index
    %swap3A_29 = vector.load %arg7[%swap3A, %swap3A_27, %swap3A_28] : memref<1x256x1024xf32, #tpu.memory_space<vmem>>, vector<1x256x1024xf32>
    %swap3A_30 = vector.shape_cast %swap3A_29 : vector<1x256x1024xf32> to vector<256x1024xf32>
    %swap3A_31 = vector.shape_cast %add3A_26 : vector<256x1024xf32> to vector<1x256x1024xf32>
    tpu.vector_store %arg7[%swap3A, %swap3A_27, %swap3A_28], %swap3A_31 {strides = array<i32>} : memref<1x256x1024xf32, #tpu.memory_space<vmem>>, vector<1x256x1024xf32>,
    return
  }
  func.func @transform_0(%arg0: i32, %arg1: i32) -> (i32, i32, i32) {
    %c0_i32 = arith.constant 0 : i32
    %c0_i32_0 = arith.constant 0 : i32
    return %arg0, %arg1, %c0_i32 : i32, i32, i32
  }
  func.func @transform_1(%arg0: i32, %arg1: i32) -> (i32, i32) {
    %c0_i32 = arith.constant 0 : i32
    %c0_i32_0 = arith.constant 0 : i32
    %c0_i32_1 = arith.constant 0 : i32
    return %c0_i32, %c0_i32_0 : i32, i32
  }
  func.func @transform_2(%arg0: i32, %arg1: i32) -> (i32, i32) {
    %c0_i32 = arith.constant 0 : i32
    %c0_i32_0 = arith.constant 0 : i32
    %c0_i32_1 = arith.constant 0 : i32
    return %c0_i32, %c0_i32_0 : i32, i32
  }
  func.func @transform_3(%arg0: i32, %arg1: i32) -> (i32, i32) {
    %c0_i32 = arith.constant 0 : i32
    %c0_i32_0 = arith.constant 0 : i32
    %c0_i32_1 = arith.constant 0 : i32
    return %c0_i32, %c0_i32_0 : i32, i32
  }
  func.func @transform_4(%arg0: i32, %arg1: i32) -> (i32, i32) {
    %c0_i32 = arith.constant 0 : i32
    %c0_i32_0 = arith.constant 0 : i32
    %c0_i32_1 = arith.constant 0 : i32
    return %c0_i32, %c0_i32_0 : i32, i32
  }
  func.func @transform_5(%arg0: i32, %arg1: i32) -> (i32, i32, i32) {
    %c0_i32 = arith.constant 0 : i32
    %c0_i32_0 = arith.constant 0 : i32
    return %arg0, %arg1, %c0_i32 : i32, i32, i32
  }
}

module attributes {stable_mosaic.version = 14 : i64} {
  func.func @_sortpool_kernel(%arg0: i32, %arg1: i32, %arg2: memref<1x2048x128xf32, #tpu.memory_space<vmem>>, %arg3: memref<2048x128xf32, #tpu.memory_space<vmem>>, %arg4: memref<1x1x128xf32, #tpu.memory_space<vmem>>) attributes {dimension_semantics = [#tpu.dimension_semantics<arbitrary>, #tpu.dimension_semantics<arbitrary>], iteration_bounds = array<i64: 4, 8>, scalar_prefetch = 0 : i64, scratch_operands = 0 : i64, tpu.core_type = #tpu.core_type<tc>, window_params = [{transform_indices = @transform_0, window_bounds = array<i64: 1, 2048, 128>}, {transform_indices = @transform_1, window_bounds = array<i64: 2048, 128>}, {transform_indices = @transform_2, window_bounds = array<i64: 1, 1, 128>}]} {
    %get3A = arith.constant 0 : index
    %get3A_0 = arith.constant 0 : index
    %get3A_1 = arith.constant 0 : index
    %get3A_2 = vector.load %arg2[%get3A, %get3A_0, %get3A_1] : memref<1x2048x128xf32, #tpu.memory_space<vmem>>, vector<1x2048x128xf32>
    %get3A_3 = vector.shape_cast %get3A_2 : vector<1x2048x128xf32> to vector<2048x128xf32>
    %neg3A = arith.constant 0.000000e+00 : f32
    %neg3A_4 = vector.broadcast %neg3A : f32 to vector<2048x128xf32>
    %neg3A_5 = arith.subf %neg3A_4, %get3A_3 : vector<2048x128xf32>
    %iota3A = tpu.iota {dimensions = array<i32: 0>} : vector<2048x1xi32>
    %and3A = arith.constant 16 : i32
    %and3A_6 = vector.broadcast %and3A : i32 to vector<2048x1xi32>
    %and3A_7 = arith.andi %iota3A, %and3A_6 : vector<2048x1xi32>
    %eq3A = arith.constant 0 : i32
    %eq3A_8 = vector.broadcast %eq3A : i32 to vector<2048x1xi32>
    %eq3A_9 = arith.cmpi eq, %and3A_7, %eq3A_8 : vector<2048x1xi32>
    %jit3A = arith.constant 1.000000e+00 : f32
    %jit3A_10 = arith.constant -1.000000e+00 : f32
    %broadcast_in_dim3A = vector.broadcast %jit3A : f32 to vector<2048x1xf32>
    %broadcast_in_dim3A_11 = vector.broadcast %jit3A_10 : f32 to vector<2048x1xf32>
    %select_n3A = arith.select %eq3A_9, %broadcast_in_dim3A, %broadcast_in_dim3A_11 : vector<2048x1xi1>, vector<2048x1xf32>
    %mul3A = vector.broadcast %select_n3A : vector<2048x1xf32> to vector<2048x128xf32>
    %mul3A_12 = arith.mulf %neg3A_5, %mul3A : vector<2048x128xf32>
    %reshape3A = vector.shape_cast %mul3A_12 : vector<2048x128xf32> to vector<128x2x8x128xf32>
    %slice3A = vector.extract_strided_slice %reshape3A {offsets = [0, 0, 0, 0], sizes = [128, 1, 8, 128], strides = [1, 1, 1, 1]} : vector<128x2x8x128xf32> to vector<128x1x8x128xf32>
    %squeeze3A = vector.shape_cast %slice3A : vector<128x1x8x128xf32> to vector<128x8x128xf32>
    %slice3A_13 = vector.extract_strided_slice %reshape3A {offsets = [0, 1, 0, 0], sizes = [128, 1, 8, 128], strides = [1, 1, 1, 1]} : vector<128x2x8x128xf32> to vector<128x1x8x128xf32>
    %squeeze3A_14 = vector.shape_cast %slice3A_13 : vector<128x1x8x128xf32> to vector<128x8x128xf32>
    %min3A = arith.minimumf %squeeze3A, %squeeze3A_14 : vector<128x8x128xf32>
    %slice3A_15 = vector.extract_strided_slice %reshape3A {offsets = [0, 0, 0, 0], sizes = [128, 1, 8, 128], strides = [1, 1, 1, 1]} : vector<128x2x8x128xf32> to vector<128x1x8x128xf32>
    %squeeze3A_16 = vector.shape_cast %slice3A_15 : vector<128x1x8x128xf32> to vector<128x8x128xf32>
    %slice3A_17 = vector.extract_strided_slice %reshape3A {offsets = [0, 1, 0, 0], sizes = [128, 1, 8, 128], strides = [1, 1, 1, 1]} : vector<128x2x8x128xf32> to vector<128x1x8x128xf32>
    %squeeze3A_18 = vector.shape_cast %slice3A_17 : vector<128x1x8x128xf32> to vector<128x8x128xf32>
    %max3A = arith.maximumf %squeeze3A_16, %squeeze3A_18 : vector<128x8x128xf32>
    %broadcast_in_dim3A_19 = vector.shape_cast %min3A : vector<128x8x128xf32> to vector<128x1x8x128xf32>
    %broadcast_in_dim3A_20 = vector.shape_cast %max3A : vector<128x8x128xf32> to vector<128x1x8x128xf32>
    %concatenate3A = tpu.concatenate %broadcast_in_dim3A_19, %broadcast_in_dim3A_20 in 1 : vector<128x1x8x128xf32>, vector<128x1x8x128xf32> -> vector<128x2x8x128xf32>
    %reshape3A_21 = vector.shape_cast %concatenate3A : vector<128x2x8x128xf32> to vector<2048x128xf32>
    %mul3A_22 = vector.broadcast %select_n3A : vector<2048x1xf32> to vector<2048x128xf32>
    %mul3A_23 = arith.mulf %reshape3A_21, %mul3A_22 : vector<2048x128xf32>
    %and3A_24 = arith.constant 32 : i32
    %and3A_25 = vector.broadcast %and3A_24 : i32 to vector<2048x1xi32>
    %and3A_26 = arith.andi %iota3A, %and3A_25 : vector<2048x1xi32>
    %eq3A_27 = arith.constant 0 : i32
    %eq3A_28 = vector.broadcast %eq3A_27 : i32 to vector<2048x1xi32>
    %eq3A_29 = arith.cmpi eq, %and3A_26, %eq3A_28 : vector<2048x1xi32>
    %jit3A_30 = arith.constant 1.000000e+00 : f32
    %jit3A_31 = arith.constant -1.000000e+00 : f32
    %broadcast_in_dim3A_32 = vector.broadcast %jit3A_30 : f32 to vector<2048x1xf32>
    %broadcast_in_dim3A_33 = vector.broadcast %jit3A_31 : f32 to vector<2048x1xf32>
    %select_n3A_34 = arith.select %eq3A_29, %broadcast_in_dim3A_32, %broadcast_in_dim3A_33 : vector<2048x1xi1>, vector<2048x1xf32>
    %mul3A_35 = vector.broadcast %select_n3A_34 : vector<2048x1xf32> to vector<2048x128xf32>
    %mul3A_36 = arith.mulf %mul3A_23, %mul3A_35 : vector<2048x128xf32>
    %reshape3A_37 = vector.shape_cast %mul3A_36 : vector<2048x128xf32> to vector<64x2x16x128xf32>
    %slice3A_38 = vector.extract_strided_slice %reshape3A_37 {offsets = [0, 0, 0, 0], sizes = [64, 1, 16, 128], strides = [1, 1, 1, 1]} : vector<64x2x16x128xf32> to vector<64x1x16x128xf32>
    %squeeze3A_39 = vector.shape_cast %slice3A_38 : vector<64x1x16x128xf32> to vector<64x16x128xf32>
    %slice3A_40 = vector.extract_strided_slice %reshape3A_37 {offsets = [0, 1, 0, 0], sizes = [64, 1, 16, 128], strides = [1, 1, 1, 1]} : vector<64x2x16x128xf32> to vector<64x1x16x128xf32>
    %squeeze3A_41 = vector.shape_cast %slice3A_40 : vector<64x1x16x128xf32> to vector<64x16x128xf32>
    %min3A_42 = arith.minimumf %squeeze3A_39, %squeeze3A_41 : vector<64x16x128xf32>
    %slice3A_43 = vector.extract_strided_slice %reshape3A_37 {offsets = [0, 0, 0, 0], sizes = [64, 1, 16, 128], strides = [1, 1, 1, 1]} : vector<64x2x16x128xf32> to vector<64x1x16x128xf32>
    %squeeze3A_44 = vector.shape_cast %slice3A_43 : vector<64x1x16x128xf32> to vector<64x16x128xf32>
    %slice3A_45 = vector.extract_strided_slice %reshape3A_37 {offsets = [0, 1, 0, 0], sizes = [64, 1, 16, 128], strides = [1, 1, 1, 1]} : vector<64x2x16x128xf32> to vector<64x1x16x128xf32>
    %squeeze3A_46 = vector.shape_cast %slice3A_45 : vector<64x1x16x128xf32> to vector<64x16x128xf32>
    %max3A_47 = arith.maximumf %squeeze3A_44, %squeeze3A_46 : vector<64x16x128xf32>
    %broadcast_in_dim3A_48 = vector.shape_cast %min3A_42 : vector<64x16x128xf32> to vector<64x1x16x128xf32>
    %broadcast_in_dim3A_49 = vector.shape_cast %max3A_47 : vector<64x16x128xf32> to vector<64x1x16x128xf32>
    %concatenate3A_50 = tpu.concatenate %broadcast_in_dim3A_48, %broadcast_in_dim3A_49 in 1 : vector<64x1x16x128xf32>, vector<64x1x16x128xf32> -> vector<64x2x16x128xf32>
    %reshape3A_51 = vector.shape_cast %concatenate3A_50 : vector<64x2x16x128xf32> to vector<2048x128xf32>
    %reshape3A_52 = vector.shape_cast %reshape3A_51 : vector<2048x128xf32> to vector<128x2x8x128xf32>
    %slice3A_53 = vector.extract_strided_slice %reshape3A_52 {offsets = [0, 0, 0, 0], sizes = [128, 1, 8, 128], strides = [1, 1, 1, 1]} : vector<128x2x8x128xf32> to vector<128x1x8x128xf32>
    %squeeze3A_54 = vector.shape_cast %slice3A_53 : vector<128x1x8x128xf32> to vector<128x8x128xf32>
    %slice3A_55 = vector.extract_strided_slice %reshape3A_52 {offsets = [0, 1, 0, 0], sizes = [128, 1, 8, 128], strides = [1, 1, 1, 1]} : vector<128x2x8x128xf32> to vector<128x1x8x128xf32>
    %squeeze3A_56 = vector.shape_cast %slice3A_55 : vector<128x1x8x128xf32> to vector<128x8x128xf32>
    %min3A_57 = arith.minimumf %squeeze3A_54, %squeeze3A_56 : vector<128x8x128xf32>
    %slice3A_58 = vector.extract_strided_slice %reshape3A_52 {offsets = [0, 0, 0, 0], sizes = [128, 1, 8, 128], strides = [1, 1, 1, 1]} : vector<128x2x8x128xf32> to vector<128x1x8x128xf32>
    %squeeze3A_59 = vector.shape_cast %slice3A_58 : vector<128x1x8x128xf32> to vector<128x8x128xf32>
    %slice3A_60 = vector.extract_strided_slice %reshape3A_52 {offsets = [0, 1, 0, 0], sizes = [128, 1, 8, 128], strides = [1, 1, 1, 1]} : vector<128x2x8x128xf32> to vector<128x1x8x128xf32>
    %squeeze3A_61 = vector.shape_cast %slice3A_60 : vector<128x1x8x128xf32> to vector<128x8x128xf32>
    %max3A_62 = arith.maximumf %squeeze3A_59, %squeeze3A_61 : vector<128x8x128xf32>
    %broadcast_in_dim3A_63 = vector.shape_cast %min3A_57 : vector<128x8x128xf32> to vector<128x1x8x128xf32>
    %broadcast_in_dim3A_64 = vector.shape_cast %max3A_62 : vector<128x8x128xf32> to vector<128x1x8x128xf32>
    %concatenate3A_65 = tpu.concatenate %broadcast_in_dim3A_63, %broadcast_in_dim3A_64 in 1 : vector<128x1x8x128xf32>, vector<128x1x8x128xf32> -> vector<128x2x8x128xf32>
    %reshape3A_66 = vector.shape_cast %concatenate3A_65 : vector<128x2x8x128xf32> to vector<2048x128xf32>
    %mul3A_67 = vector.broadcast %select_n3A_34 : vector<2048x1xf32> to vector<2048x128xf32>
    %mul3A_68 = arith.mulf %reshape3A_66, %mul3A_67 : vector<2048x128xf32>
    %and3A_69 = arith.constant 64 : i32
    %and3A_70 = vector.broadcast %and3A_69 : i32 to vector<2048x1xi32>
    %and3A_71 = arith.andi %iota3A, %and3A_70 : vector<2048x1xi32>
    %eq3A_72 = arith.constant 0 : i32
    %eq3A_73 = vector.broadcast %eq3A_72 : i32 to vector<2048x1xi32>
    %eq3A_74 = arith.cmpi eq, %and3A_71, %eq3A_73 : vector<2048x1xi32>
    %jit3A_75 = arith.constant 1.000000e+00 : f32
    %jit3A_76 = arith.constant -1.000000e+00 : f32
    %broadcast_in_dim3A_77 = vector.broadcast %jit3A_75 : f32 to vector<2048x1xf32>
    %broadcast_in_dim3A_78 = vector.broadcast %jit3A_76 : f32 to vector<2048x1xf32>
    %select_n3A_79 = arith.select %eq3A_74, %broadcast_in_dim3A_77, %broadcast_in_dim3A_78 : vector<2048x1xi1>, vector<2048x1xf32>
    %mul3A_80 = vector.broadcast %select_n3A_79 : vector<2048x1xf32> to vector<2048x128xf32>
    %mul3A_81 = arith.mulf %mul3A_68, %mul3A_80 : vector<2048x128xf32>
    %reshape3A_82 = vector.shape_cast %mul3A_81 : vector<2048x128xf32> to vector<32x2x32x128xf32>
    %slice3A_83 = vector.extract_strided_slice %reshape3A_82 {offsets = [0, 0, 0, 0], sizes = [32, 1, 32, 128], strides = [1, 1, 1, 1]} : vector<32x2x32x128xf32> to vector<32x1x32x128xf32>
    %squeeze3A_84 = vector.shape_cast %slice3A_83 : vector<32x1x32x128xf32> to vector<32x32x128xf32>
    %slice3A_85 = vector.extract_strided_slice %reshape3A_82 {offsets = [0, 1, 0, 0], sizes = [32, 1, 32, 128], strides = [1, 1, 1, 1]} : vector<32x2x32x128xf32> to vector<32x1x32x128xf32>
    %squeeze3A_86 = vector.shape_cast %slice3A_85 : vector<32x1x32x128xf32> to vector<32x32x128xf32>
    %min3A_87 = arith.minimumf %squeeze3A_84, %squeeze3A_86 : vector<32x32x128xf32>
    %slice3A_88 = vector.extract_strided_slice %reshape3A_82 {offsets = [0, 0, 0, 0], sizes = [32, 1, 32, 128], strides = [1, 1, 1, 1]} : vector<32x2x32x128xf32> to vector<32x1x32x128xf32>
    %squeeze3A_89 = vector.shape_cast %slice3A_88 : vector<32x1x32x128xf32> to vector<32x32x128xf32>
    %slice3A_90 = vector.extract_strided_slice %reshape3A_82 {offsets = [0, 1, 0, 0], sizes = [32, 1, 32, 128], strides = [1, 1, 1, 1]} : vector<32x2x32x128xf32> to vector<32x1x32x128xf32>
    %squeeze3A_91 = vector.shape_cast %slice3A_90 : vector<32x1x32x128xf32> to vector<32x32x128xf32>
    %max3A_92 = arith.maximumf %squeeze3A_89, %squeeze3A_91 : vector<32x32x128xf32>
    %broadcast_in_dim3A_93 = vector.shape_cast %min3A_87 : vector<32x32x128xf32> to vector<32x1x32x128xf32>
    %broadcast_in_dim3A_94 = vector.shape_cast %max3A_92 : vector<32x32x128xf32> to vector<32x1x32x128xf32>
    %concatenate3A_95 = tpu.concatenate %broadcast_in_dim3A_93, %broadcast_in_dim3A_94 in 1 : vector<32x1x32x128xf32>, vector<32x1x32x128xf32> -> vector<32x2x32x128xf32>
    %reshape3A_96 = vector.shape_cast %concatenate3A_95 : vector<32x2x32x128xf32> to vector<2048x128xf32>
    %reshape3A_97 = vector.shape_cast %reshape3A_96 : vector<2048x128xf32> to vector<64x2x16x128xf32>
    %slice3A_98 = vector.extract_strided_slice %reshape3A_97 {offsets = [0, 0, 0, 0], sizes = [64, 1, 16, 128], strides = [1, 1, 1, 1]} : vector<64x2x16x128xf32> to vector<64x1x16x128xf32>
    %squeeze3A_99 = vector.shape_cast %slice3A_98 : vector<64x1x16x128xf32> to vector<64x16x128xf32>
    %slice3A_100 = vector.extract_strided_slice %reshape3A_97 {offsets = [0, 1, 0, 0], sizes = [64, 1, 16, 128], strides = [1, 1, 1, 1]} : vector<64x2x16x128xf32> to vector<64x1x16x128xf32>
    %squeeze3A_101 = vector.shape_cast %slice3A_100 : vector<64x1x16x128xf32> to vector<64x16x128xf32>
    %min3A_102 = arith.minimumf %squeeze3A_99, %squeeze3A_101 : vector<64x16x128xf32>
    %slice3A_103 = vector.extract_strided_slice %reshape3A_97 {offsets = [0, 0, 0, 0], sizes = [64, 1, 16, 128], strides = [1, 1, 1, 1]} : vector<64x2x16x128xf32> to vector<64x1x16x128xf32>
    %squeeze3A_104 = vector.shape_cast %slice3A_103 : vector<64x1x16x128xf32> to vector<64x16x128xf32>
    %slice3A_105 = vector.extract_strided_slice %reshape3A_97 {offsets = [0, 1, 0, 0], sizes = [64, 1, 16, 128], strides = [1, 1, 1, 1]} : vector<64x2x16x128xf32> to vector<64x1x16x128xf32>
    %squeeze3A_106 = vector.shape_cast %slice3A_105 : vector<64x1x16x128xf32> to vector<64x16x128xf32>
    %max3A_107 = arith.maximumf %squeeze3A_104, %squeeze3A_106 : vector<64x16x128xf32>
    %broadcast_in_dim3A_108 = vector.shape_cast %min3A_102 : vector<64x16x128xf32> to vector<64x1x16x128xf32>
    %broadcast_in_dim3A_109 = vector.shape_cast %max3A_107 : vector<64x16x128xf32> to vector<64x1x16x128xf32>
    %concatenate3A_110 = tpu.concatenate %broadcast_in_dim3A_108, %broadcast_in_dim3A_109 in 1 : vector<64x1x16x128xf32>, vector<64x1x16x128xf32> -> vector<64x2x16x128xf32>
    %reshape3A_111 = vector.shape_cast %concatenate3A_110 : vector<64x2x16x128xf32> to vector<2048x128xf32>
    %reshape3A_112 = vector.shape_cast %reshape3A_111 : vector<2048x128xf32> to vector<128x2x8x128xf32>
    %slice3A_113 = vector.extract_strided_slice %reshape3A_112 {offsets = [0, 0, 0, 0], sizes = [128, 1, 8, 128], strides = [1, 1, 1, 1]} : vector<128x2x8x128xf32> to vector<128x1x8x128xf32>
    %squeeze3A_114 = vector.shape_cast %slice3A_113 : vector<128x1x8x128xf32> to vector<128x8x128xf32>
    %slice3A_115 = vector.extract_strided_slice %reshape3A_112 {offsets = [0, 1, 0, 0], sizes = [128, 1, 8, 128], strides = [1, 1, 1, 1]} : vector<128x2x8x128xf32> to vector<128x1x8x128xf32>
    %squeeze3A_116 = vector.shape_cast %slice3A_115 : vector<128x1x8x128xf32> to vector<128x8x128xf32>
    %min3A_117 = arith.minimumf %squeeze3A_114, %squeeze3A_116 : vector<128x8x128xf32>
    %slice3A_118 = vector.extract_strided_slice %reshape3A_112 {offsets = [0, 0, 0, 0], sizes = [128, 1, 8, 128], strides = [1, 1, 1, 1]} : vector<128x2x8x128xf32> to vector<128x1x8x128xf32>
    %squeeze3A_119 = vector.shape_cast %slice3A_118 : vector<128x1x8x128xf32> to vector<128x8x128xf32>
    %slice3A_120 = vector.extract_strided_slice %reshape3A_112 {offsets = [0, 1, 0, 0], sizes = [128, 1, 8, 128], strides = [1, 1, 1, 1]} : vector<128x2x8x128xf32> to vector<128x1x8x128xf32>
    %squeeze3A_121 = vector.shape_cast %slice3A_120 : vector<128x1x8x128xf32> to vector<128x8x128xf32>
    %max3A_122 = arith.maximumf %squeeze3A_119, %squeeze3A_121 : vector<128x8x128xf32>
    %broadcast_in_dim3A_123 = vector.shape_cast %min3A_117 : vector<128x8x128xf32> to vector<128x1x8x128xf32>
    %broadcast_in_dim3A_124 = vector.shape_cast %max3A_122 : vector<128x8x128xf32> to vector<128x1x8x128xf32>
    %concatenate3A_125 = tpu.concatenate %broadcast_in_dim3A_123, %broadcast_in_dim3A_124 in 1 : vector<128x1x8x128xf32>, vector<128x1x8x128xf32> -> vector<128x2x8x128xf32>
    %reshape3A_126 = vector.shape_cast %concatenate3A_125 : vector<128x2x8x128xf32> to vector<2048x128xf32>
    %mul3A_127 = vector.broadcast %select_n3A_79 : vector<2048x1xf32> to vector<2048x128xf32>
    %mul3A_128 = arith.mulf %reshape3A_126, %mul3A_127 : vector<2048x128xf32>
    %and3A_129 = arith.constant 128 : i32
    %and3A_130 = vector.broadcast %and3A_129 : i32 to vector<2048x1xi32>
    %and3A_131 = arith.andi %iota3A, %and3A_130 : vector<2048x1xi32>
    %eq3A_132 = arith.constant 0 : i32
    %eq3A_133 = vector.broadcast %eq3A_132 : i32 to vector<2048x1xi32>
    %eq3A_134 = arith.cmpi eq, %and3A_131, %eq3A_133 : vector<2048x1xi32>
    %jit3A_135 = arith.constant 1.000000e+00 : f32
    %jit3A_136 = arith.constant -1.000000e+00 : f32
    %broadcast_in_dim3A_137 = vector.broadcast %jit3A_135 : f32 to vector<2048x1xf32>
    %broadcast_in_dim3A_138 = vector.broadcast %jit3A_136 : f32 to vector<2048x1xf32>
    %select_n3A_139 = arith.select %eq3A_134, %broadcast_in_dim3A_137, %broadcast_in_dim3A_138 : vector<2048x1xi1>, vector<2048x1xf32>
    %mul3A_140 = vector.broadcast %select_n3A_139 : vector<2048x1xf32> to vector<2048x128xf32>
    %mul3A_141 = arith.mulf %mul3A_128, %mul3A_140 : vector<2048x128xf32>
    %reshape3A_142 = vector.shape_cast %mul3A_141 : vector<2048x128xf32> to vector<16x2x64x128xf32>
    %slice3A_143 = vector.extract_strided_slice %reshape3A_142 {offsets = [0, 0, 0, 0], sizes = [16, 1, 64, 128], strides = [1, 1, 1, 1]} : vector<16x2x64x128xf32> to vector<16x1x64x128xf32>
    %squeeze3A_144 = vector.shape_cast %slice3A_143 : vector<16x1x64x128xf32> to vector<16x64x128xf32>
    %slice3A_145 = vector.extract_strided_slice %reshape3A_142 {offsets = [0, 1, 0, 0], sizes = [16, 1, 64, 128], strides = [1, 1, 1, 1]} : vector<16x2x64x128xf32> to vector<16x1x64x128xf32>
    %squeeze3A_146 = vector.shape_cast %slice3A_145 : vector<16x1x64x128xf32> to vector<16x64x128xf32>
    %min3A_147 = arith.minimumf %squeeze3A_144, %squeeze3A_146 : vector<16x64x128xf32>
    %slice3A_148 = vector.extract_strided_slice %reshape3A_142 {offsets = [0, 0, 0, 0], sizes = [16, 1, 64, 128], strides = [1, 1, 1, 1]} : vector<16x2x64x128xf32> to vector<16x1x64x128xf32>
    %squeeze3A_149 = vector.shape_cast %slice3A_148 : vector<16x1x64x128xf32> to vector<16x64x128xf32>
    %slice3A_150 = vector.extract_strided_slice %reshape3A_142 {offsets = [0, 1, 0, 0], sizes = [16, 1, 64, 128], strides = [1, 1, 1, 1]} : vector<16x2x64x128xf32> to vector<16x1x64x128xf32>
    %squeeze3A_151 = vector.shape_cast %slice3A_150 : vector<16x1x64x128xf32> to vector<16x64x128xf32>
    %max3A_152 = arith.maximumf %squeeze3A_149, %squeeze3A_151 : vector<16x64x128xf32>
    %broadcast_in_dim3A_153 = vector.shape_cast %min3A_147 : vector<16x64x128xf32> to vector<16x1x64x128xf32>
    %broadcast_in_dim3A_154 = vector.shape_cast %max3A_152 : vector<16x64x128xf32> to vector<16x1x64x128xf32>
    %concatenate3A_155 = tpu.concatenate %broadcast_in_dim3A_153, %broadcast_in_dim3A_154 in 1 : vector<16x1x64x128xf32>, vector<16x1x64x128xf32> -> vector<16x2x64x128xf32>
    %reshape3A_156 = vector.shape_cast %concatenate3A_155 : vector<16x2x64x128xf32> to vector<2048x128xf32>
    %reshape3A_157 = vector.shape_cast %reshape3A_156 : vector<2048x128xf32> to vector<32x2x32x128xf32>
    %slice3A_158 = vector.extract_strided_slice %reshape3A_157 {offsets = [0, 0, 0, 0], sizes = [32, 1, 32, 128], strides = [1, 1, 1, 1]} : vector<32x2x32x128xf32> to vector<32x1x32x128xf32>
    %squeeze3A_159 = vector.shape_cast %slice3A_158 : vector<32x1x32x128xf32> to vector<32x32x128xf32>
    %slice3A_160 = vector.extract_strided_slice %reshape3A_157 {offsets = [0, 1, 0, 0], sizes = [32, 1, 32, 128], strides = [1, 1, 1, 1]} : vector<32x2x32x128xf32> to vector<32x1x32x128xf32>
    %squeeze3A_161 = vector.shape_cast %slice3A_160 : vector<32x1x32x128xf32> to vector<32x32x128xf32>
    %min3A_162 = arith.minimumf %squeeze3A_159, %squeeze3A_161 : vector<32x32x128xf32>
    %slice3A_163 = vector.extract_strided_slice %reshape3A_157 {offsets = [0, 0, 0, 0], sizes = [32, 1, 32, 128], strides = [1, 1, 1, 1]} : vector<32x2x32x128xf32> to vector<32x1x32x128xf32>
    %squeeze3A_164 = vector.shape_cast %slice3A_163 : vector<32x1x32x128xf32> to vector<32x32x128xf32>
    %slice3A_165 = vector.extract_strided_slice %reshape3A_157 {offsets = [0, 1, 0, 0], sizes = [32, 1, 32, 128], strides = [1, 1, 1, 1]} : vector<32x2x32x128xf32> to vector<32x1x32x128xf32>
    %squeeze3A_166 = vector.shape_cast %slice3A_165 : vector<32x1x32x128xf32> to vector<32x32x128xf32>
    %max3A_167 = arith.maximumf %squeeze3A_164, %squeeze3A_166 : vector<32x32x128xf32>
    %broadcast_in_dim3A_168 = vector.shape_cast %min3A_162 : vector<32x32x128xf32> to vector<32x1x32x128xf32>
    %broadcast_in_dim3A_169 = vector.shape_cast %max3A_167 : vector<32x32x128xf32> to vector<32x1x32x128xf32>
    %concatenate3A_170 = tpu.concatenate %broadcast_in_dim3A_168, %broadcast_in_dim3A_169 in 1 : vector<32x1x32x128xf32>, vector<32x1x32x128xf32> -> vector<32x2x32x128xf32>
    %reshape3A_171 = vector.shape_cast %concatenate3A_170 : vector<32x2x32x128xf32> to vector<2048x128xf32>
    %reshape3A_172 = vector.shape_cast %reshape3A_171 : vector<2048x128xf32> to vector<64x2x16x128xf32>
    %slice3A_173 = vector.extract_strided_slice %reshape3A_172 {offsets = [0, 0, 0, 0], sizes = [64, 1, 16, 128], strides = [1, 1, 1, 1]} : vector<64x2x16x128xf32> to vector<64x1x16x128xf32>
    %squeeze3A_174 = vector.shape_cast %slice3A_173 : vector<64x1x16x128xf32> to vector<64x16x128xf32>
    %slice3A_175 = vector.extract_strided_slice %reshape3A_172 {offsets = [0, 1, 0, 0], sizes = [64, 1, 16, 128], strides = [1, 1, 1, 1]} : vector<64x2x16x128xf32> to vector<64x1x16x128xf32>
    %squeeze3A_176 = vector.shape_cast %slice3A_175 : vector<64x1x16x128xf32> to vector<64x16x128xf32>
    %min3A_177 = arith.minimumf %squeeze3A_174, %squeeze3A_176 : vector<64x16x128xf32>
    %slice3A_178 = vector.extract_strided_slice %reshape3A_172 {offsets = [0, 0, 0, 0], sizes = [64, 1, 16, 128], strides = [1, 1, 1, 1]} : vector<64x2x16x128xf32> to vector<64x1x16x128xf32>
    %squeeze3A_179 = vector.shape_cast %slice3A_178 : vector<64x1x16x128xf32> to vector<64x16x128xf32>
    %slice3A_180 = vector.extract_strided_slice %reshape3A_172 {offsets = [0, 1, 0, 0], sizes = [64, 1, 16, 128], strides = [1, 1, 1, 1]} : vector<64x2x16x128xf32> to vector<64x1x16x128xf32>
    %squeeze3A_181 = vector.shape_cast %slice3A_180 : vector<64x1x16x128xf32> to vector<64x16x128xf32>
    %max3A_182 = arith.maximumf %squeeze3A_179, %squeeze3A_181 : vector<64x16x128xf32>
    %broadcast_in_dim3A_183 = vector.shape_cast %min3A_177 : vector<64x16x128xf32> to vector<64x1x16x128xf32>
    %broadcast_in_dim3A_184 = vector.shape_cast %max3A_182 : vector<64x16x128xf32> to vector<64x1x16x128xf32>
    %concatenate3A_185 = tpu.concatenate %broadcast_in_dim3A_183, %broadcast_in_dim3A_184 in 1 : vector<64x1x16x128xf32>, vector<64x1x16x128xf32> -> vector<64x2x16x128xf32>
    %reshape3A_186 = vector.shape_cast %concatenate3A_185 : vector<64x2x16x128xf32> to vector<2048x128xf32>
    %reshape3A_187 = vector.shape_cast %reshape3A_186 : vector<2048x128xf32> to vector<128x2x8x128xf32>
    %slice3A_188 = vector.extract_strided_slice %reshape3A_187 {offsets = [0, 0, 0, 0], sizes = [128, 1, 8, 128], strides = [1, 1, 1, 1]} : vector<128x2x8x128xf32> to vector<128x1x8x128xf32>
    %squeeze3A_189 = vector.shape_cast %slice3A_188 : vector<128x1x8x128xf32> to vector<128x8x128xf32>
    %slice3A_190 = vector.extract_strided_slice %reshape3A_187 {offsets = [0, 1, 0, 0], sizes = [128, 1, 8, 128], strides = [1, 1, 1, 1]} : vector<128x2x8x128xf32> to vector<128x1x8x128xf32>
    %squeeze3A_191 = vector.shape_cast %slice3A_190 : vector<128x1x8x128xf32> to vector<128x8x128xf32>
    %min3A_192 = arith.minimumf %squeeze3A_189, %squeeze3A_191 : vector<128x8x128xf32>
    %slice3A_193 = vector.extract_strided_slice %reshape3A_187 {offsets = [0, 0, 0, 0], sizes = [128, 1, 8, 128], strides = [1, 1, 1, 1]} : vector<128x2x8x128xf32> to vector<128x1x8x128xf32>
    %squeeze3A_194 = vector.shape_cast %slice3A_193 : vector<128x1x8x128xf32> to vector<128x8x128xf32>
    %slice3A_195 = vector.extract_strided_slice %reshape3A_187 {offsets = [0, 1, 0, 0], sizes = [128, 1, 8, 128], strides = [1, 1, 1, 1]} : vector<128x2x8x128xf32> to vector<128x1x8x128xf32>
    %squeeze3A_196 = vector.shape_cast %slice3A_195 : vector<128x1x8x128xf32> to vector<128x8x128xf32>
    %max3A_197 = arith.maximumf %squeeze3A_194, %squeeze3A_196 : vector<128x8x128xf32>
    %broadcast_in_dim3A_198 = vector.shape_cast %min3A_192 : vector<128x8x128xf32> to vector<128x1x8x128xf32>
    %broadcast_in_dim3A_199 = vector.shape_cast %max3A_197 : vector<128x8x128xf32> to vector<128x1x8x128xf32>
    %concatenate3A_200 = tpu.concatenate %broadcast_in_dim3A_198, %broadcast_in_dim3A_199 in 1 : vector<128x1x8x128xf32>, vector<128x1x8x128xf32> -> vector<128x2x8x128xf32>
    %reshape3A_201 = vector.shape_cast %concatenate3A_200 : vector<128x2x8x128xf32> to vector<2048x128xf32>
    %mul3A_202 = vector.broadcast %select_n3A_139 : vector<2048x1xf32> to vector<2048x128xf32>
    %mul3A_203 = arith.mulf %reshape3A_201, %mul3A_202 : vector<2048x128xf32>
    %and3A_204 = arith.constant 256 : i32
    %and3A_205 = vector.broadcast %and3A_204 : i32 to vector<2048x1xi32>
    %and3A_206 = arith.andi %iota3A, %and3A_205 : vector<2048x1xi32>
    %eq3A_207 = arith.constant 0 : i32
    %eq3A_208 = vector.broadcast %eq3A_207 : i32 to vector<2048x1xi32>
    %eq3A_209 = arith.cmpi eq, %and3A_206, %eq3A_208 : vector<2048x1xi32>
    %jit3A_210 = arith.constant 1.000000e+00 : f32
    %jit3A_211 = arith.constant -1.000000e+00 : f32
    %broadcast_in_dim3A_212 = vector.broadcast %jit3A_210 : f32 to vector<2048x1xf32>
    %broadcast_in_dim3A_213 = vector.broadcast %jit3A_211 : f32 to vector<2048x1xf32>
    %select_n3A_214 = arith.select %eq3A_209, %broadcast_in_dim3A_212, %broadcast_in_dim3A_213 : vector<2048x1xi1>, vector<2048x1xf32>
    %mul3A_215 = vector.broadcast %select_n3A_214 : vector<2048x1xf32> to vector<2048x128xf32>
    %mul3A_216 = arith.mulf %mul3A_203, %mul3A_215 : vector<2048x128xf32>
    %reshape3A_217 = vector.shape_cast %mul3A_216 : vector<2048x128xf32> to vector<8x2x128x128xf32>
    %slice3A_218 = vector.extract_strided_slice %reshape3A_217 {offsets = [0, 0, 0, 0], sizes = [8, 1, 128, 128], strides = [1, 1, 1, 1]} : vector<8x2x128x128xf32> to vector<8x1x128x128xf32>
    %squeeze3A_219 = vector.shape_cast %slice3A_218 : vector<8x1x128x128xf32> to vector<8x128x128xf32>
    %slice3A_220 = vector.extract_strided_slice %reshape3A_217 {offsets = [0, 1, 0, 0], sizes = [8, 1, 128, 128], strides = [1, 1, 1, 1]} : vector<8x2x128x128xf32> to vector<8x1x128x128xf32>
    %squeeze3A_221 = vector.shape_cast %slice3A_220 : vector<8x1x128x128xf32> to vector<8x128x128xf32>
    %min3A_222 = arith.minimumf %squeeze3A_219, %squeeze3A_221 : vector<8x128x128xf32>
    %slice3A_223 = vector.extract_strided_slice %reshape3A_217 {offsets = [0, 0, 0, 0], sizes = [8, 1, 128, 128], strides = [1, 1, 1, 1]} : vector<8x2x128x128xf32> to vector<8x1x128x128xf32>
    %squeeze3A_224 = vector.shape_cast %slice3A_223 : vector<8x1x128x128xf32> to vector<8x128x128xf32>
    %slice3A_225 = vector.extract_strided_slice %reshape3A_217 {offsets = [0, 1, 0, 0], sizes = [8, 1, 128, 128], strides = [1, 1, 1, 1]} : vector<8x2x128x128xf32> to vector<8x1x128x128xf32>
    %squeeze3A_226 = vector.shape_cast %slice3A_225 : vector<8x1x128x128xf32> to vector<8x128x128xf32>
    %max3A_227 = arith.maximumf %squeeze3A_224, %squeeze3A_226 : vector<8x128x128xf32>
    %broadcast_in_dim3A_228 = vector.shape_cast %min3A_222 : vector<8x128x128xf32> to vector<8x1x128x128xf32>
    %broadcast_in_dim3A_229 = vector.shape_cast %max3A_227 : vector<8x128x128xf32> to vector<8x1x128x128xf32>
    %concatenate3A_230 = tpu.concatenate %broadcast_in_dim3A_228, %broadcast_in_dim3A_229 in 1 : vector<8x1x128x128xf32>, vector<8x1x128x128xf32> -> vector<8x2x128x128xf32>
    %reshape3A_231 = vector.shape_cast %concatenate3A_230 : vector<8x2x128x128xf32> to vector<2048x128xf32>
    %reshape3A_232 = vector.shape_cast %reshape3A_231 : vector<2048x128xf32> to vector<16x2x64x128xf32>
    %slice3A_233 = vector.extract_strided_slice %reshape3A_232 {offsets = [0, 0, 0, 0], sizes = [16, 1, 64, 128], strides = [1, 1, 1, 1]} : vector<16x2x64x128xf32> to vector<16x1x64x128xf32>
    %squeeze3A_234 = vector.shape_cast %slice3A_233 : vector<16x1x64x128xf32> to vector<16x64x128xf32>
    %slice3A_235 = vector.extract_strided_slice %reshape3A_232 {offsets = [0, 1, 0, 0], sizes = [16, 1, 64, 128], strides = [1, 1, 1, 1]} : vector<16x2x64x128xf32> to vector<16x1x64x128xf32>
    %squeeze3A_236 = vector.shape_cast %slice3A_235 : vector<16x1x64x128xf32> to vector<16x64x128xf32>
    %min3A_237 = arith.minimumf %squeeze3A_234, %squeeze3A_236 : vector<16x64x128xf32>
    %slice3A_238 = vector.extract_strided_slice %reshape3A_232 {offsets = [0, 0, 0, 0], sizes = [16, 1, 64, 128], strides = [1, 1, 1, 1]} : vector<16x2x64x128xf32> to vector<16x1x64x128xf32>
    %squeeze3A_239 = vector.shape_cast %slice3A_238 : vector<16x1x64x128xf32> to vector<16x64x128xf32>
    %slice3A_240 = vector.extract_strided_slice %reshape3A_232 {offsets = [0, 1, 0, 0], sizes = [16, 1, 64, 128], strides = [1, 1, 1, 1]} : vector<16x2x64x128xf32> to vector<16x1x64x128xf32>
    %squeeze3A_241 = vector.shape_cast %slice3A_240 : vector<16x1x64x128xf32> to vector<16x64x128xf32>
    %max3A_242 = arith.maximumf %squeeze3A_239, %squeeze3A_241 : vector<16x64x128xf32>
    %broadcast_in_dim3A_243 = vector.shape_cast %min3A_237 : vector<16x64x128xf32> to vector<16x1x64x128xf32>
    %broadcast_in_dim3A_244 = vector.shape_cast %max3A_242 : vector<16x64x128xf32> to vector<16x1x64x128xf32>
    %concatenate3A_245 = tpu.concatenate %broadcast_in_dim3A_243, %broadcast_in_dim3A_244 in 1 : vector<16x1x64x128xf32>, vector<16x1x64x128xf32> -> vector<16x2x64x128xf32>
    %reshape3A_246 = vector.shape_cast %concatenate3A_245 : vector<16x2x64x128xf32> to vector<2048x128xf32>
    %reshape3A_247 = vector.shape_cast %reshape3A_246 : vector<2048x128xf32> to vector<32x2x32x128xf32>
    %slice3A_248 = vector.extract_strided_slice %reshape3A_247 {offsets = [0, 0, 0, 0], sizes = [32, 1, 32, 128], strides = [1, 1, 1, 1]} : vector<32x2x32x128xf32> to vector<32x1x32x128xf32>
    %squeeze3A_249 = vector.shape_cast %slice3A_248 : vector<32x1x32x128xf32> to vector<32x32x128xf32>
    %slice3A_250 = vector.extract_strided_slice %reshape3A_247 {offsets = [0, 1, 0, 0], sizes = [32, 1, 32, 128], strides = [1, 1, 1, 1]} : vector<32x2x32x128xf32> to vector<32x1x32x128xf32>
    %squeeze3A_251 = vector.shape_cast %slice3A_250 : vector<32x1x32x128xf32> to vector<32x32x128xf32>
    %min3A_252 = arith.minimumf %squeeze3A_249, %squeeze3A_251 : vector<32x32x128xf32>
    %slice3A_253 = vector.extract_strided_slice %reshape3A_247 {offsets = [0, 0, 0, 0], sizes = [32, 1, 32, 128], strides = [1, 1, 1, 1]} : vector<32x2x32x128xf32> to vector<32x1x32x128xf32>
    %squeeze3A_254 = vector.shape_cast %slice3A_253 : vector<32x1x32x128xf32> to vector<32x32x128xf32>
    %slice3A_255 = vector.extract_strided_slice %reshape3A_247 {offsets = [0, 1, 0, 0], sizes = [32, 1, 32, 128], strides = [1, 1, 1, 1]} : vector<32x2x32x128xf32> to vector<32x1x32x128xf32>
    %squeeze3A_256 = vector.shape_cast %slice3A_255 : vector<32x1x32x128xf32> to vector<32x32x128xf32>
    %max3A_257 = arith.maximumf %squeeze3A_254, %squeeze3A_256 : vector<32x32x128xf32>
    %broadcast_in_dim3A_258 = vector.shape_cast %min3A_252 : vector<32x32x128xf32> to vector<32x1x32x128xf32>
    %broadcast_in_dim3A_259 = vector.shape_cast %max3A_257 : vector<32x32x128xf32> to vector<32x1x32x128xf32>
    %concatenate3A_260 = tpu.concatenate %broadcast_in_dim3A_258, %broadcast_in_dim3A_259 in 1 : vector<32x1x32x128xf32>, vector<32x1x32x128xf32> -> vector<32x2x32x128xf32>
    %reshape3A_261 = vector.shape_cast %concatenate3A_260 : vector<32x2x32x128xf32> to vector<2048x128xf32>
    %reshape3A_262 = vector.shape_cast %reshape3A_261 : vector<2048x128xf32> to vector<64x2x16x128xf32>
    %slice3A_263 = vector.extract_strided_slice %reshape3A_262 {offsets = [0, 0, 0, 0], sizes = [64, 1, 16, 128], strides = [1, 1, 1, 1]} : vector<64x2x16x128xf32> to vector<64x1x16x128xf32>
    %squeeze3A_264 = vector.shape_cast %slice3A_263 : vector<64x1x16x128xf32> to vector<64x16x128xf32>
    %slice3A_265 = vector.extract_strided_slice %reshape3A_262 {offsets = [0, 1, 0, 0], sizes = [64, 1, 16, 128], strides = [1, 1, 1, 1]} : vector<64x2x16x128xf32> to vector<64x1x16x128xf32>
    %squeeze3A_266 = vector.shape_cast %slice3A_265 : vector<64x1x16x128xf32> to vector<64x16x128xf32>
    %min3A_267 = arith.minimumf %squeeze3A_264, %squeeze3A_266 : vector<64x16x128xf32>
    %slice3A_268 = vector.extract_strided_slice %reshape3A_262 {offsets = [0, 0, 0, 0], sizes = [64, 1, 16, 128], strides = [1, 1, 1, 1]} : vector<64x2x16x128xf32> to vector<64x1x16x128xf32>
    %squeeze3A_269 = vector.shape_cast %slice3A_268 : vector<64x1x16x128xf32> to vector<64x16x128xf32>
    %slice3A_270 = vector.extract_strided_slice %reshape3A_262 {offsets = [0, 1, 0, 0], sizes = [64, 1, 16, 128], strides = [1, 1, 1, 1]} : vector<64x2x16x128xf32> to vector<64x1x16x128xf32>
    %squeeze3A_271 = vector.shape_cast %slice3A_270 : vector<64x1x16x128xf32> to vector<64x16x128xf32>
    %max3A_272 = arith.maximumf %squeeze3A_269, %squeeze3A_271 : vector<64x16x128xf32>
    %broadcast_in_dim3A_273 = vector.shape_cast %min3A_267 : vector<64x16x128xf32> to vector<64x1x16x128xf32>
    %broadcast_in_dim3A_274 = vector.shape_cast %max3A_272 : vector<64x16x128xf32> to vector<64x1x16x128xf32>
    %concatenate3A_275 = tpu.concatenate %broadcast_in_dim3A_273, %broadcast_in_dim3A_274 in 1 : vector<64x1x16x128xf32>, vector<64x1x16x128xf32> -> vector<64x2x16x128xf32>
    %reshape3A_276 = vector.shape_cast %concatenate3A_275 : vector<64x2x16x128xf32> to vector<2048x128xf32>
    %reshape3A_277 = vector.shape_cast %reshape3A_276 : vector<2048x128xf32> to vector<128x2x8x128xf32>
    %slice3A_278 = vector.extract_strided_slice %reshape3A_277 {offsets = [0, 0, 0, 0], sizes = [128, 1, 8, 128], strides = [1, 1, 1, 1]} : vector<128x2x8x128xf32> to vector<128x1x8x128xf32>
    %squeeze3A_279 = vector.shape_cast %slice3A_278 : vector<128x1x8x128xf32> to vector<128x8x128xf32>
    %slice3A_280 = vector.extract_strided_slice %reshape3A_277 {offsets = [0, 1, 0, 0], sizes = [128, 1, 8, 128], strides = [1, 1, 1, 1]} : vector<128x2x8x128xf32> to vector<128x1x8x128xf32>
    %squeeze3A_281 = vector.shape_cast %slice3A_280 : vector<128x1x8x128xf32> to vector<128x8x128xf32>
    %min3A_282 = arith.minimumf %squeeze3A_279, %squeeze3A_281 : vector<128x8x128xf32>
    %slice3A_283 = vector.extract_strided_slice %reshape3A_277 {offsets = [0, 0, 0, 0], sizes = [128, 1, 8, 128], strides = [1, 1, 1, 1]} : vector<128x2x8x128xf32> to vector<128x1x8x128xf32>
    %squeeze3A_284 = vector.shape_cast %slice3A_283 : vector<128x1x8x128xf32> to vector<128x8x128xf32>
    %slice3A_285 = vector.extract_strided_slice %reshape3A_277 {offsets = [0, 1, 0, 0], sizes = [128, 1, 8, 128], strides = [1, 1, 1, 1]} : vector<128x2x8x128xf32> to vector<128x1x8x128xf32>
    %squeeze3A_286 = vector.shape_cast %slice3A_285 : vector<128x1x8x128xf32> to vector<128x8x128xf32>
    %max3A_287 = arith.maximumf %squeeze3A_284, %squeeze3A_286 : vector<128x8x128xf32>
    %broadcast_in_dim3A_288 = vector.shape_cast %min3A_282 : vector<128x8x128xf32> to vector<128x1x8x128xf32>
    %broadcast_in_dim3A_289 = vector.shape_cast %max3A_287 : vector<128x8x128xf32> to vector<128x1x8x128xf32>
    %concatenate3A_290 = tpu.concatenate %broadcast_in_dim3A_288, %broadcast_in_dim3A_289 in 1 : vector<128x1x8x128xf32>, vector<128x1x8x128xf32> -> vector<128x2x8x128xf32>
    %reshape3A_291 = vector.shape_cast %concatenate3A_290 : vector<128x2x8x128xf32> to vector<2048x128xf32>
    %mul3A_292 = vector.broadcast %select_n3A_214 : vector<2048x1xf32> to vector<2048x128xf32>
    %mul3A_293 = arith.mulf %reshape3A_291, %mul3A_292 : vector<2048x128xf32>
    %and3A_294 = arith.constant 512 : i32
    %and3A_295 = vector.broadcast %and3A_294 : i32 to vector<2048x1xi32>
    %and3A_296 = arith.andi %iota3A, %and3A_295 : vector<2048x1xi32>
    %eq3A_297 = arith.constant 0 : i32
    %eq3A_298 = vector.broadcast %eq3A_297 : i32 to vector<2048x1xi32>
    %eq3A_299 = arith.cmpi eq, %and3A_296, %eq3A_298 : vector<2048x1xi32>
    %jit3A_300 = arith.constant 1.000000e+00 : f32
    %jit3A_301 = arith.constant -1.000000e+00 : f32
    %broadcast_in_dim3A_302 = vector.broadcast %jit3A_300 : f32 to vector<2048x1xf32>
    %broadcast_in_dim3A_303 = vector.broadcast %jit3A_301 : f32 to vector<2048x1xf32>
    %select_n3A_304 = arith.select %eq3A_299, %broadcast_in_dim3A_302, %broadcast_in_dim3A_303 : vector<2048x1xi1>, vector<2048x1xf32>
    %mul3A_305 = vector.broadcast %select_n3A_304 : vector<2048x1xf32> to vector<2048x128xf32>
    %mul3A_306 = arith.mulf %mul3A_293, %mul3A_305 : vector<2048x128xf32>
    %reshape3A_307 = vector.shape_cast %mul3A_306 : vector<2048x128xf32> to vector<4x2x256x128xf32>
    %slice3A_308 = vector.extract_strided_slice %reshape3A_307 {offsets = [0, 0, 0, 0], sizes = [4, 1, 256, 128], strides = [1, 1, 1, 1]} : vector<4x2x256x128xf32> to vector<4x1x256x128xf32>
    %squeeze3A_309 = vector.shape_cast %slice3A_308 : vector<4x1x256x128xf32> to vector<4x256x128xf32>
    %slice3A_310 = vector.extract_strided_slice %reshape3A_307 {offsets = [0, 1, 0, 0], sizes = [4, 1, 256, 128], strides = [1, 1, 1, 1]} : vector<4x2x256x128xf32> to vector<4x1x256x128xf32>
    %squeeze3A_311 = vector.shape_cast %slice3A_310 : vector<4x1x256x128xf32> to vector<4x256x128xf32>
    %min3A_312 = arith.minimumf %squeeze3A_309, %squeeze3A_311 : vector<4x256x128xf32>
    %slice3A_313 = vector.extract_strided_slice %reshape3A_307 {offsets = [0, 0, 0, 0], sizes = [4, 1, 256, 128], strides = [1, 1, 1, 1]} : vector<4x2x256x128xf32> to vector<4x1x256x128xf32>
    %squeeze3A_314 = vector.shape_cast %slice3A_313 : vector<4x1x256x128xf32> to vector<4x256x128xf32>
    %slice3A_315 = vector.extract_strided_slice %reshape3A_307 {offsets = [0, 1, 0, 0], sizes = [4, 1, 256, 128], strides = [1, 1, 1, 1]} : vector<4x2x256x128xf32> to vector<4x1x256x128xf32>
    %squeeze3A_316 = vector.shape_cast %slice3A_315 : vector<4x1x256x128xf32> to vector<4x256x128xf32>
    %max3A_317 = arith.maximumf %squeeze3A_314, %squeeze3A_316 : vector<4x256x128xf32>
    %broadcast_in_dim3A_318 = vector.shape_cast %min3A_312 : vector<4x256x128xf32> to vector<4x1x256x128xf32>
    %broadcast_in_dim3A_319 = vector.shape_cast %max3A_317 : vector<4x256x128xf32> to vector<4x1x256x128xf32>
    %concatenate3A_320 = tpu.concatenate %broadcast_in_dim3A_318, %broadcast_in_dim3A_319 in 1 : vector<4x1x256x128xf32>, vector<4x1x256x128xf32> -> vector<4x2x256x128xf32>
    %reshape3A_321 = vector.shape_cast %concatenate3A_320 : vector<4x2x256x128xf32> to vector<2048x128xf32>
    %reshape3A_322 = vector.shape_cast %reshape3A_321 : vector<2048x128xf32> to vector<8x2x128x128xf32>
    %slice3A_323 = vector.extract_strided_slice %reshape3A_322 {offsets = [0, 0, 0, 0], sizes = [8, 1, 128, 128], strides = [1, 1, 1, 1]} : vector<8x2x128x128xf32> to vector<8x1x128x128xf32>
    %squeeze3A_324 = vector.shape_cast %slice3A_323 : vector<8x1x128x128xf32> to vector<8x128x128xf32>
    %slice3A_325 = vector.extract_strided_slice %reshape3A_322 {offsets = [0, 1, 0, 0], sizes = [8, 1, 128, 128], strides = [1, 1, 1, 1]} : vector<8x2x128x128xf32> to vector<8x1x128x128xf32>
    %squeeze3A_326 = vector.shape_cast %slice3A_325 : vector<8x1x128x128xf32> to vector<8x128x128xf32>
    %min3A_327 = arith.minimumf %squeeze3A_324, %squeeze3A_326 : vector<8x128x128xf32>
    %slice3A_328 = vector.extract_strided_slice %reshape3A_322 {offsets = [0, 0, 0, 0], sizes = [8, 1, 128, 128], strides = [1, 1, 1, 1]} : vector<8x2x128x128xf32> to vector<8x1x128x128xf32>
    %squeeze3A_329 = vector.shape_cast %slice3A_328 : vector<8x1x128x128xf32> to vector<8x128x128xf32>
    %slice3A_330 = vector.extract_strided_slice %reshape3A_322 {offsets = [0, 1, 0, 0], sizes = [8, 1, 128, 128], strides = [1, 1, 1, 1]} : vector<8x2x128x128xf32> to vector<8x1x128x128xf32>
    %squeeze3A_331 = vector.shape_cast %slice3A_330 : vector<8x1x128x128xf32> to vector<8x128x128xf32>
    %max3A_332 = arith.maximumf %squeeze3A_329, %squeeze3A_331 : vector<8x128x128xf32>
    %broadcast_in_dim3A_333 = vector.shape_cast %min3A_327 : vector<8x128x128xf32> to vector<8x1x128x128xf32>
    %broadcast_in_dim3A_334 = vector.shape_cast %max3A_332 : vector<8x128x128xf32> to vector<8x1x128x128xf32>
    %concatenate3A_335 = tpu.concatenate %broadcast_in_dim3A_333, %broadcast_in_dim3A_334 in 1 : vector<8x1x128x128xf32>, vector<8x1x128x128xf32> -> vector<8x2x128x128xf32>
    %reshape3A_336 = vector.shape_cast %concatenate3A_335 : vector<8x2x128x128xf32> to vector<2048x128xf32>
    %reshape3A_337 = vector.shape_cast %reshape3A_336 : vector<2048x128xf32> to vector<16x2x64x128xf32>
    %slice3A_338 = vector.extract_strided_slice %reshape3A_337 {offsets = [0, 0, 0, 0], sizes = [16, 1, 64, 128], strides = [1, 1, 1, 1]} : vector<16x2x64x128xf32> to vector<16x1x64x128xf32>
    %squeeze3A_339 = vector.shape_cast %slice3A_338 : vector<16x1x64x128xf32> to vector<16x64x128xf32>
    %slice3A_340 = vector.extract_strided_slice %reshape3A_337 {offsets = [0, 1, 0, 0], sizes = [16, 1, 64, 128], strides = [1, 1, 1, 1]} : vector<16x2x64x128xf32> to vector<16x1x64x128xf32>
    %squeeze3A_341 = vector.shape_cast %slice3A_340 : vector<16x1x64x128xf32> to vector<16x64x128xf32>
    %min3A_342 = arith.minimumf %squeeze3A_339, %squeeze3A_341 : vector<16x64x128xf32>
    %slice3A_343 = vector.extract_strided_slice %reshape3A_337 {offsets = [0, 0, 0, 0], sizes = [16, 1, 64, 128], strides = [1, 1, 1, 1]} : vector<16x2x64x128xf32> to vector<16x1x64x128xf32>
    %squeeze3A_344 = vector.shape_cast %slice3A_343 : vector<16x1x64x128xf32> to vector<16x64x128xf32>
    %slice3A_345 = vector.extract_strided_slice %reshape3A_337 {offsets = [0, 1, 0, 0], sizes = [16, 1, 64, 128], strides = [1, 1, 1, 1]} : vector<16x2x64x128xf32> to vector<16x1x64x128xf32>
    %squeeze3A_346 = vector.shape_cast %slice3A_345 : vector<16x1x64x128xf32> to vector<16x64x128xf32>
    %max3A_347 = arith.maximumf %squeeze3A_344, %squeeze3A_346 : vector<16x64x128xf32>
    %broadcast_in_dim3A_348 = vector.shape_cast %min3A_342 : vector<16x64x128xf32> to vector<16x1x64x128xf32>
    %broadcast_in_dim3A_349 = vector.shape_cast %max3A_347 : vector<16x64x128xf32> to vector<16x1x64x128xf32>
    %concatenate3A_350 = tpu.concatenate %broadcast_in_dim3A_348, %broadcast_in_dim3A_349 in 1 : vector<16x1x64x128xf32>, vector<16x1x64x128xf32> -> vector<16x2x64x128xf32>
    %reshape3A_351 = vector.shape_cast %concatenate3A_350 : vector<16x2x64x128xf32> to vector<2048x128xf32>
    %reshape3A_352 = vector.shape_cast %reshape3A_351 : vector<2048x128xf32> to vector<32x2x32x128xf32>
    %slice3A_353 = vector.extract_strided_slice %reshape3A_352 {offsets = [0, 0, 0, 0], sizes = [32, 1, 32, 128], strides = [1, 1, 1, 1]} : vector<32x2x32x128xf32> to vector<32x1x32x128xf32>
    %squeeze3A_354 = vector.shape_cast %slice3A_353 : vector<32x1x32x128xf32> to vector<32x32x128xf32>
    %slice3A_355 = vector.extract_strided_slice %reshape3A_352 {offsets = [0, 1, 0, 0], sizes = [32, 1, 32, 128], strides = [1, 1, 1, 1]} : vector<32x2x32x128xf32> to vector<32x1x32x128xf32>
    %squeeze3A_356 = vector.shape_cast %slice3A_355 : vector<32x1x32x128xf32> to vector<32x32x128xf32>
    %min3A_357 = arith.minimumf %squeeze3A_354, %squeeze3A_356 : vector<32x32x128xf32>
    %slice3A_358 = vector.extract_strided_slice %reshape3A_352 {offsets = [0, 0, 0, 0], sizes = [32, 1, 32, 128], strides = [1, 1, 1, 1]} : vector<32x2x32x128xf32> to vector<32x1x32x128xf32>
    %squeeze3A_359 = vector.shape_cast %slice3A_358 : vector<32x1x32x128xf32> to vector<32x32x128xf32>
    %slice3A_360 = vector.extract_strided_slice %reshape3A_352 {offsets = [0, 1, 0, 0], sizes = [32, 1, 32, 128], strides = [1, 1, 1, 1]} : vector<32x2x32x128xf32> to vector<32x1x32x128xf32>
    %squeeze3A_361 = vector.shape_cast %slice3A_360 : vector<32x1x32x128xf32> to vector<32x32x128xf32>
    %max3A_362 = arith.maximumf %squeeze3A_359, %squeeze3A_361 : vector<32x32x128xf32>
    %broadcast_in_dim3A_363 = vector.shape_cast %min3A_357 : vector<32x32x128xf32> to vector<32x1x32x128xf32>
    %broadcast_in_dim3A_364 = vector.shape_cast %max3A_362 : vector<32x32x128xf32> to vector<32x1x32x128xf32>
    %concatenate3A_365 = tpu.concatenate %broadcast_in_dim3A_363, %broadcast_in_dim3A_364 in 1 : vector<32x1x32x128xf32>, vector<32x1x32x128xf32> -> vector<32x2x32x128xf32>
    %reshape3A_366 = vector.shape_cast %concatenate3A_365 : vector<32x2x32x128xf32> to vector<2048x128xf32>
    %reshape3A_367 = vector.shape_cast %reshape3A_366 : vector<2048x128xf32> to vector<64x2x16x128xf32>
    %slice3A_368 = vector.extract_strided_slice %reshape3A_367 {offsets = [0, 0, 0, 0], sizes = [64, 1, 16, 128], strides = [1, 1, 1, 1]} : vector<64x2x16x128xf32> to vector<64x1x16x128xf32>
    %squeeze3A_369 = vector.shape_cast %slice3A_368 : vector<64x1x16x128xf32> to vector<64x16x128xf32>
    %slice3A_370 = vector.extract_strided_slice %reshape3A_367 {offsets = [0, 1, 0, 0], sizes = [64, 1, 16, 128], strides = [1, 1, 1, 1]} : vector<64x2x16x128xf32> to vector<64x1x16x128xf32>
    %squeeze3A_371 = vector.shape_cast %slice3A_370 : vector<64x1x16x128xf32> to vector<64x16x128xf32>
    %min3A_372 = arith.minimumf %squeeze3A_369, %squeeze3A_371 : vector<64x16x128xf32>
    %slice3A_373 = vector.extract_strided_slice %reshape3A_367 {offsets = [0, 0, 0, 0], sizes = [64, 1, 16, 128], strides = [1, 1, 1, 1]} : vector<64x2x16x128xf32> to vector<64x1x16x128xf32>
    %squeeze3A_374 = vector.shape_cast %slice3A_373 : vector<64x1x16x128xf32> to vector<64x16x128xf32>
    %slice3A_375 = vector.extract_strided_slice %reshape3A_367 {offsets = [0, 1, 0, 0], sizes = [64, 1, 16, 128], strides = [1, 1, 1, 1]} : vector<64x2x16x128xf32> to vector<64x1x16x128xf32>
    %squeeze3A_376 = vector.shape_cast %slice3A_375 : vector<64x1x16x128xf32> to vector<64x16x128xf32>
    %max3A_377 = arith.maximumf %squeeze3A_374, %squeeze3A_376 : vector<64x16x128xf32>
    %broadcast_in_dim3A_378 = vector.shape_cast %min3A_372 : vector<64x16x128xf32> to vector<64x1x16x128xf32>
    %broadcast_in_dim3A_379 = vector.shape_cast %max3A_377 : vector<64x16x128xf32> to vector<64x1x16x128xf32>
    %concatenate3A_380 = tpu.concatenate %broadcast_in_dim3A_378, %broadcast_in_dim3A_379 in 1 : vector<64x1x16x128xf32>, vector<64x1x16x128xf32> -> vector<64x2x16x128xf32>
    %reshape3A_381 = vector.shape_cast %concatenate3A_380 : vector<64x2x16x128xf32> to vector<2048x128xf32>
    %reshape3A_382 = vector.shape_cast %reshape3A_381 : vector<2048x128xf32> to vector<128x2x8x128xf32>
    %slice3A_383 = vector.extract_strided_slice %reshape3A_382 {offsets = [0, 0, 0, 0], sizes = [128, 1, 8, 128], strides = [1, 1, 1, 1]} : vector<128x2x8x128xf32> to vector<128x1x8x128xf32>
    %squeeze3A_384 = vector.shape_cast %slice3A_383 : vector<128x1x8x128xf32> to vector<128x8x128xf32>
    %slice3A_385 = vector.extract_strided_slice %reshape3A_382 {offsets = [0, 1, 0, 0], sizes = [128, 1, 8, 128], strides = [1, 1, 1, 1]} : vector<128x2x8x128xf32> to vector<128x1x8x128xf32>
    %squeeze3A_386 = vector.shape_cast %slice3A_385 : vector<128x1x8x128xf32> to vector<128x8x128xf32>
    %min3A_387 = arith.minimumf %squeeze3A_384, %squeeze3A_386 : vector<128x8x128xf32>
    %slice3A_388 = vector.extract_strided_slice %reshape3A_382 {offsets = [0, 0, 0, 0], sizes = [128, 1, 8, 128], strides = [1, 1, 1, 1]} : vector<128x2x8x128xf32> to vector<128x1x8x128xf32>
    %squeeze3A_389 = vector.shape_cast %slice3A_388 : vector<128x1x8x128xf32> to vector<128x8x128xf32>
    %slice3A_390 = vector.extract_strided_slice %reshape3A_382 {offsets = [0, 1, 0, 0], sizes = [128, 1, 8, 128], strides = [1, 1, 1, 1]} : vector<128x2x8x128xf32> to vector<128x1x8x128xf32>
    %squeeze3A_391 = vector.shape_cast %slice3A_390 : vector<128x1x8x128xf32> to vector<128x8x128xf32>
    %max3A_392 = arith.maximumf %squeeze3A_389, %squeeze3A_391 : vector<128x8x128xf32>
    %broadcast_in_dim3A_393 = vector.shape_cast %min3A_387 : vector<128x8x128xf32> to vector<128x1x8x128xf32>
    %broadcast_in_dim3A_394 = vector.shape_cast %max3A_392 : vector<128x8x128xf32> to vector<128x1x8x128xf32>
    %concatenate3A_395 = tpu.concatenate %broadcast_in_dim3A_393, %broadcast_in_dim3A_394 in 1 : vector<128x1x8x128xf32>, vector<128x1x8x128xf32> -> vector<128x2x8x128xf32>
    %reshape3A_396 = vector.shape_cast %concatenate3A_395 : vector<128x2x8x128xf32> to vector<2048x128xf32>
    %mul3A_397 = vector.broadcast %select_n3A_304 : vector<2048x1xf32> to vector<2048x128xf32>
    %mul3A_398 = arith.mulf %reshape3A_396, %mul3A_397 : vector<2048x128xf32>
    %and3A_399 = arith.constant 1024 : i32
    %and3A_400 = vector.broadcast %and3A_399 : i32 to vector<2048x1xi32>
    %and3A_401 = arith.andi %iota3A, %and3A_400 : vector<2048x1xi32>
    %eq3A_402 = arith.constant 0 : i32
    %eq3A_403 = vector.broadcast %eq3A_402 : i32 to vector<2048x1xi32>
    %eq3A_404 = arith.cmpi eq, %and3A_401, %eq3A_403 : vector<2048x1xi32>
    %jit3A_405 = arith.constant 1.000000e+00 : f32
    %jit3A_406 = arith.constant -1.000000e+00 : f32
    %broadcast_in_dim3A_407 = vector.broadcast %jit3A_405 : f32 to vector<2048x1xf32>
    %broadcast_in_dim3A_408 = vector.broadcast %jit3A_406 : f32 to vector<2048x1xf32>
    %select_n3A_409 = arith.select %eq3A_404, %broadcast_in_dim3A_407, %broadcast_in_dim3A_408 : vector<2048x1xi1>, vector<2048x1xf32>
    %mul3A_410 = vector.broadcast %select_n3A_409 : vector<2048x1xf32> to vector<2048x128xf32>
    %mul3A_411 = arith.mulf %mul3A_398, %mul3A_410 : vector<2048x128xf32>
    %reshape3A_412 = vector.shape_cast %mul3A_411 : vector<2048x128xf32> to vector<2x2x512x128xf32>
    %slice3A_413 = vector.extract_strided_slice %reshape3A_412 {offsets = [0, 0, 0, 0], sizes = [2, 1, 512, 128], strides = [1, 1, 1, 1]} : vector<2x2x512x128xf32> to vector<2x1x512x128xf32>
    %squeeze3A_414 = vector.shape_cast %slice3A_413 : vector<2x1x512x128xf32> to vector<2x512x128xf32>
    %slice3A_415 = vector.extract_strided_slice %reshape3A_412 {offsets = [0, 1, 0, 0], sizes = [2, 1, 512, 128], strides = [1, 1, 1, 1]} : vector<2x2x512x128xf32> to vector<2x1x512x128xf32>
    %squeeze3A_416 = vector.shape_cast %slice3A_415 : vector<2x1x512x128xf32> to vector<2x512x128xf32>
    %min3A_417 = arith.minimumf %squeeze3A_414, %squeeze3A_416 : vector<2x512x128xf32>
    %slice3A_418 = vector.extract_strided_slice %reshape3A_412 {offsets = [0, 0, 0, 0], sizes = [2, 1, 512, 128], strides = [1, 1, 1, 1]} : vector<2x2x512x128xf32> to vector<2x1x512x128xf32>
    %squeeze3A_419 = vector.shape_cast %slice3A_418 : vector<2x1x512x128xf32> to vector<2x512x128xf32>
    %slice3A_420 = vector.extract_strided_slice %reshape3A_412 {offsets = [0, 1, 0, 0], sizes = [2, 1, 512, 128], strides = [1, 1, 1, 1]} : vector<2x2x512x128xf32> to vector<2x1x512x128xf32>
    %squeeze3A_421 = vector.shape_cast %slice3A_420 : vector<2x1x512x128xf32> to vector<2x512x128xf32>
    %max3A_422 = arith.maximumf %squeeze3A_419, %squeeze3A_421 : vector<2x512x128xf32>
    %broadcast_in_dim3A_423 = vector.shape_cast %min3A_417 : vector<2x512x128xf32> to vector<2x1x512x128xf32>
    %broadcast_in_dim3A_424 = vector.shape_cast %max3A_422 : vector<2x512x128xf32> to vector<2x1x512x128xf32>
    %concatenate3A_425 = tpu.concatenate %broadcast_in_dim3A_423, %broadcast_in_dim3A_424 in 1 : vector<2x1x512x128xf32>, vector<2x1x512x128xf32> -> vector<2x2x512x128xf32>
    %reshape3A_426 = vector.shape_cast %concatenate3A_425 : vector<2x2x512x128xf32> to vector<2048x128xf32>
    %reshape3A_427 = vector.shape_cast %reshape3A_426 : vector<2048x128xf32> to vector<4x2x256x128xf32>
    %slice3A_428 = vector.extract_strided_slice %reshape3A_427 {offsets = [0, 0, 0, 0], sizes = [4, 1, 256, 128], strides = [1, 1, 1, 1]} : vector<4x2x256x128xf32> to vector<4x1x256x128xf32>
    %squeeze3A_429 = vector.shape_cast %slice3A_428 : vector<4x1x256x128xf32> to vector<4x256x128xf32>
    %slice3A_430 = vector.extract_strided_slice %reshape3A_427 {offsets = [0, 1, 0, 0], sizes = [4, 1, 256, 128], strides = [1, 1, 1, 1]} : vector<4x2x256x128xf32> to vector<4x1x256x128xf32>
    %squeeze3A_431 = vector.shape_cast %slice3A_430 : vector<4x1x256x128xf32> to vector<4x256x128xf32>
    %min3A_432 = arith.minimumf %squeeze3A_429, %squeeze3A_431 : vector<4x256x128xf32>
    %slice3A_433 = vector.extract_strided_slice %reshape3A_427 {offsets = [0, 0, 0, 0], sizes = [4, 1, 256, 128], strides = [1, 1, 1, 1]} : vector<4x2x256x128xf32> to vector<4x1x256x128xf32>
    %squeeze3A_434 = vector.shape_cast %slice3A_433 : vector<4x1x256x128xf32> to vector<4x256x128xf32>
    %slice3A_435 = vector.extract_strided_slice %reshape3A_427 {offsets = [0, 1, 0, 0], sizes = [4, 1, 256, 128], strides = [1, 1, 1, 1]} : vector<4x2x256x128xf32> to vector<4x1x256x128xf32>
    %squeeze3A_436 = vector.shape_cast %slice3A_435 : vector<4x1x256x128xf32> to vector<4x256x128xf32>
    %max3A_437 = arith.maximumf %squeeze3A_434, %squeeze3A_436 : vector<4x256x128xf32>
    %broadcast_in_dim3A_438 = vector.shape_cast %min3A_432 : vector<4x256x128xf32> to vector<4x1x256x128xf32>
    %broadcast_in_dim3A_439 = vector.shape_cast %max3A_437 : vector<4x256x128xf32> to vector<4x1x256x128xf32>
    %concatenate3A_440 = tpu.concatenate %broadcast_in_dim3A_438, %broadcast_in_dim3A_439 in 1 : vector<4x1x256x128xf32>, vector<4x1x256x128xf32> -> vector<4x2x256x128xf32>
    %reshape3A_441 = vector.shape_cast %concatenate3A_440 : vector<4x2x256x128xf32> to vector<2048x128xf32>
    %reshape3A_442 = vector.shape_cast %reshape3A_441 : vector<2048x128xf32> to vector<8x2x128x128xf32>
    %slice3A_443 = vector.extract_strided_slice %reshape3A_442 {offsets = [0, 0, 0, 0], sizes = [8, 1, 128, 128], strides = [1, 1, 1, 1]} : vector<8x2x128x128xf32> to vector<8x1x128x128xf32>
    %squeeze3A_444 = vector.shape_cast %slice3A_443 : vector<8x1x128x128xf32> to vector<8x128x128xf32>
    %slice3A_445 = vector.extract_strided_slice %reshape3A_442 {offsets = [0, 1, 0, 0], sizes = [8, 1, 128, 128], strides = [1, 1, 1, 1]} : vector<8x2x128x128xf32> to vector<8x1x128x128xf32>
    %squeeze3A_446 = vector.shape_cast %slice3A_445 : vector<8x1x128x128xf32> to vector<8x128x128xf32>
    %min3A_447 = arith.minimumf %squeeze3A_444, %squeeze3A_446 : vector<8x128x128xf32>
    %slice3A_448 = vector.extract_strided_slice %reshape3A_442 {offsets = [0, 0, 0, 0], sizes = [8, 1, 128, 128], strides = [1, 1, 1, 1]} : vector<8x2x128x128xf32> to vector<8x1x128x128xf32>
    %squeeze3A_449 = vector.shape_cast %slice3A_448 : vector<8x1x128x128xf32> to vector<8x128x128xf32>
    %slice3A_450 = vector.extract_strided_slice %reshape3A_442 {offsets = [0, 1, 0, 0], sizes = [8, 1, 128, 128], strides = [1, 1, 1, 1]} : vector<8x2x128x128xf32> to vector<8x1x128x128xf32>
    %squeeze3A_451 = vector.shape_cast %slice3A_450 : vector<8x1x128x128xf32> to vector<8x128x128xf32>
    %max3A_452 = arith.maximumf %squeeze3A_449, %squeeze3A_451 : vector<8x128x128xf32>
    %broadcast_in_dim3A_453 = vector.shape_cast %min3A_447 : vector<8x128x128xf32> to vector<8x1x128x128xf32>
    %broadcast_in_dim3A_454 = vector.shape_cast %max3A_452 : vector<8x128x128xf32> to vector<8x1x128x128xf32>
    %concatenate3A_455 = tpu.concatenate %broadcast_in_dim3A_453, %broadcast_in_dim3A_454 in 1 : vector<8x1x128x128xf32>, vector<8x1x128x128xf32> -> vector<8x2x128x128xf32>
    %reshape3A_456 = vector.shape_cast %concatenate3A_455 : vector<8x2x128x128xf32> to vector<2048x128xf32>
    %reshape3A_457 = vector.shape_cast %reshape3A_456 : vector<2048x128xf32> to vector<16x2x64x128xf32>
    %slice3A_458 = vector.extract_strided_slice %reshape3A_457 {offsets = [0, 0, 0, 0], sizes = [16, 1, 64, 128], strides = [1, 1, 1, 1]} : vector<16x2x64x128xf32> to vector<16x1x64x128xf32>
    %squeeze3A_459 = vector.shape_cast %slice3A_458 : vector<16x1x64x128xf32> to vector<16x64x128xf32>
    %slice3A_460 = vector.extract_strided_slice %reshape3A_457 {offsets = [0, 1, 0, 0], sizes = [16, 1, 64, 128], strides = [1, 1, 1, 1]} : vector<16x2x64x128xf32> to vector<16x1x64x128xf32>
    %squeeze3A_461 = vector.shape_cast %slice3A_460 : vector<16x1x64x128xf32> to vector<16x64x128xf32>
    %min3A_462 = arith.minimumf %squeeze3A_459, %squeeze3A_461 : vector<16x64x128xf32>
    %slice3A_463 = vector.extract_strided_slice %reshape3A_457 {offsets = [0, 0, 0, 0], sizes = [16, 1, 64, 128], strides = [1, 1, 1, 1]} : vector<16x2x64x128xf32> to vector<16x1x64x128xf32>
    %squeeze3A_464 = vector.shape_cast %slice3A_463 : vector<16x1x64x128xf32> to vector<16x64x128xf32>
    %slice3A_465 = vector.extract_strided_slice %reshape3A_457 {offsets = [0, 1, 0, 0], sizes = [16, 1, 64, 128], strides = [1, 1, 1, 1]} : vector<16x2x64x128xf32> to vector<16x1x64x128xf32>
    %squeeze3A_466 = vector.shape_cast %slice3A_465 : vector<16x1x64x128xf32> to vector<16x64x128xf32>
    %max3A_467 = arith.maximumf %squeeze3A_464, %squeeze3A_466 : vector<16x64x128xf32>
    %broadcast_in_dim3A_468 = vector.shape_cast %min3A_462 : vector<16x64x128xf32> to vector<16x1x64x128xf32>
    %broadcast_in_dim3A_469 = vector.shape_cast %max3A_467 : vector<16x64x128xf32> to vector<16x1x64x128xf32>
    %concatenate3A_470 = tpu.concatenate %broadcast_in_dim3A_468, %broadcast_in_dim3A_469 in 1 : vector<16x1x64x128xf32>, vector<16x1x64x128xf32> -> vector<16x2x64x128xf32>
    %reshape3A_471 = vector.shape_cast %concatenate3A_470 : vector<16x2x64x128xf32> to vector<2048x128xf32>
    %reshape3A_472 = vector.shape_cast %reshape3A_471 : vector<2048x128xf32> to vector<32x2x32x128xf32>
    %slice3A_473 = vector.extract_strided_slice %reshape3A_472 {offsets = [0, 0, 0, 0], sizes = [32, 1, 32, 128], strides = [1, 1, 1, 1]} : vector<32x2x32x128xf32> to vector<32x1x32x128xf32>
    %squeeze3A_474 = vector.shape_cast %slice3A_473 : vector<32x1x32x128xf32> to vector<32x32x128xf32>
    %slice3A_475 = vector.extract_strided_slice %reshape3A_472 {offsets = [0, 1, 0, 0], sizes = [32, 1, 32, 128], strides = [1, 1, 1, 1]} : vector<32x2x32x128xf32> to vector<32x1x32x128xf32>
    %squeeze3A_476 = vector.shape_cast %slice3A_475 : vector<32x1x32x128xf32> to vector<32x32x128xf32>
    %min3A_477 = arith.minimumf %squeeze3A_474, %squeeze3A_476 : vector<32x32x128xf32>
    %slice3A_478 = vector.extract_strided_slice %reshape3A_472 {offsets = [0, 0, 0, 0], sizes = [32, 1, 32, 128], strides = [1, 1, 1, 1]} : vector<32x2x32x128xf32> to vector<32x1x32x128xf32>
    %squeeze3A_479 = vector.shape_cast %slice3A_478 : vector<32x1x32x128xf32> to vector<32x32x128xf32>
    %slice3A_480 = vector.extract_strided_slice %reshape3A_472 {offsets = [0, 1, 0, 0], sizes = [32, 1, 32, 128], strides = [1, 1, 1, 1]} : vector<32x2x32x128xf32> to vector<32x1x32x128xf32>
    %squeeze3A_481 = vector.shape_cast %slice3A_480 : vector<32x1x32x128xf32> to vector<32x32x128xf32>
    %max3A_482 = arith.maximumf %squeeze3A_479, %squeeze3A_481 : vector<32x32x128xf32>
    %broadcast_in_dim3A_483 = vector.shape_cast %min3A_477 : vector<32x32x128xf32> to vector<32x1x32x128xf32>
    %broadcast_in_dim3A_484 = vector.shape_cast %max3A_482 : vector<32x32x128xf32> to vector<32x1x32x128xf32>
    %concatenate3A_485 = tpu.concatenate %broadcast_in_dim3A_483, %broadcast_in_dim3A_484 in 1 : vector<32x1x32x128xf32>, vector<32x1x32x128xf32> -> vector<32x2x32x128xf32>
    %reshape3A_486 = vector.shape_cast %concatenate3A_485 : vector<32x2x32x128xf32> to vector<2048x128xf32>
    %reshape3A_487 = vector.shape_cast %reshape3A_486 : vector<2048x128xf32> to vector<64x2x16x128xf32>
    %slice3A_488 = vector.extract_strided_slice %reshape3A_487 {offsets = [0, 0, 0, 0], sizes = [64, 1, 16, 128], strides = [1, 1, 1, 1]} : vector<64x2x16x128xf32> to vector<64x1x16x128xf32>
    %squeeze3A_489 = vector.shape_cast %slice3A_488 : vector<64x1x16x128xf32> to vector<64x16x128xf32>
    %slice3A_490 = vector.extract_strided_slice %reshape3A_487 {offsets = [0, 1, 0, 0], sizes = [64, 1, 16, 128], strides = [1, 1, 1, 1]} : vector<64x2x16x128xf32> to vector<64x1x16x128xf32>
    %squeeze3A_491 = vector.shape_cast %slice3A_490 : vector<64x1x16x128xf32> to vector<64x16x128xf32>
    %min3A_492 = arith.minimumf %squeeze3A_489, %squeeze3A_491 : vector<64x16x128xf32>
    %slice3A_493 = vector.extract_strided_slice %reshape3A_487 {offsets = [0, 0, 0, 0], sizes = [64, 1, 16, 128], strides = [1, 1, 1, 1]} : vector<64x2x16x128xf32> to vector<64x1x16x128xf32>
    %squeeze3A_494 = vector.shape_cast %slice3A_493 : vector<64x1x16x128xf32> to vector<64x16x128xf32>
    %slice3A_495 = vector.extract_strided_slice %reshape3A_487 {offsets = [0, 1, 0, 0], sizes = [64, 1, 16, 128], strides = [1, 1, 1, 1]} : vector<64x2x16x128xf32> to vector<64x1x16x128xf32>
    %squeeze3A_496 = vector.shape_cast %slice3A_495 : vector<64x1x16x128xf32> to vector<64x16x128xf32>
    %max3A_497 = arith.maximumf %squeeze3A_494, %squeeze3A_496 : vector<64x16x128xf32>
    %broadcast_in_dim3A_498 = vector.shape_cast %min3A_492 : vector<64x16x128xf32> to vector<64x1x16x128xf32>
    %broadcast_in_dim3A_499 = vector.shape_cast %max3A_497 : vector<64x16x128xf32> to vector<64x1x16x128xf32>
    %concatenate3A_500 = tpu.concatenate %broadcast_in_dim3A_498, %broadcast_in_dim3A_499 in 1 : vector<64x1x16x128xf32>, vector<64x1x16x128xf32> -> vector<64x2x16x128xf32>
    %reshape3A_501 = vector.shape_cast %concatenate3A_500 : vector<64x2x16x128xf32> to vector<2048x128xf32>
    %reshape3A_502 = vector.shape_cast %reshape3A_501 : vector<2048x128xf32> to vector<128x2x8x128xf32>
    %slice3A_503 = vector.extract_strided_slice %reshape3A_502 {offsets = [0, 0, 0, 0], sizes = [128, 1, 8, 128], strides = [1, 1, 1, 1]} : vector<128x2x8x128xf32> to vector<128x1x8x128xf32>
    %squeeze3A_504 = vector.shape_cast %slice3A_503 : vector<128x1x8x128xf32> to vector<128x8x128xf32>
    %slice3A_505 = vector.extract_strided_slice %reshape3A_502 {offsets = [0, 1, 0, 0], sizes = [128, 1, 8, 128], strides = [1, 1, 1, 1]} : vector<128x2x8x128xf32> to vector<128x1x8x128xf32>
    %squeeze3A_506 = vector.shape_cast %slice3A_505 : vector<128x1x8x128xf32> to vector<128x8x128xf32>
    %min3A_507 = arith.minimumf %squeeze3A_504, %squeeze3A_506 : vector<128x8x128xf32>
    %slice3A_508 = vector.extract_strided_slice %reshape3A_502 {offsets = [0, 0, 0, 0], sizes = [128, 1, 8, 128], strides = [1, 1, 1, 1]} : vector<128x2x8x128xf32> to vector<128x1x8x128xf32>
    %squeeze3A_509 = vector.shape_cast %slice3A_508 : vector<128x1x8x128xf32> to vector<128x8x128xf32>
    %slice3A_510 = vector.extract_strided_slice %reshape3A_502 {offsets = [0, 1, 0, 0], sizes = [128, 1, 8, 128], strides = [1, 1, 1, 1]} : vector<128x2x8x128xf32> to vector<128x1x8x128xf32>
    %squeeze3A_511 = vector.shape_cast %slice3A_510 : vector<128x1x8x128xf32> to vector<128x8x128xf32>
    %max3A_512 = arith.maximumf %squeeze3A_509, %squeeze3A_511 : vector<128x8x128xf32>
    %broadcast_in_dim3A_513 = vector.shape_cast %min3A_507 : vector<128x8x128xf32> to vector<128x1x8x128xf32>
    %broadcast_in_dim3A_514 = vector.shape_cast %max3A_512 : vector<128x8x128xf32> to vector<128x1x8x128xf32>
    %concatenate3A_515 = tpu.concatenate %broadcast_in_dim3A_513, %broadcast_in_dim3A_514 in 1 : vector<128x1x8x128xf32>, vector<128x1x8x128xf32> -> vector<128x2x8x128xf32>
    %reshape3A_516 = vector.shape_cast %concatenate3A_515 : vector<128x2x8x128xf32> to vector<2048x128xf32>
    %mul3A_517 = vector.broadcast %select_n3A_409 : vector<2048x1xf32> to vector<2048x128xf32>
    %mul3A_518 = arith.mulf %reshape3A_516, %mul3A_517 : vector<2048x128xf32>
    %and3A_519 = arith.constant 4 : i32
    %and3A_520 = vector.broadcast %and3A_519 : i32 to vector<2048x1xi32>
    %and3A_521 = arith.andi %iota3A, %and3A_520 : vector<2048x1xi32>
    %eq3A_522 = arith.constant 0 : i32
    %eq3A_523 = vector.broadcast %eq3A_522 : i32 to vector<2048x1xi32>
    %eq3A_524 = arith.cmpi eq, %and3A_521, %eq3A_523 : vector<2048x1xi32>
    %jit3A_525 = arith.constant 1.000000e+00 : f32
    %jit3A_526 = arith.constant -1.000000e+00 : f32
    %broadcast_in_dim3A_527 = vector.broadcast %jit3A_525 : f32 to vector<2048x1xf32>
    %broadcast_in_dim3A_528 = vector.broadcast %jit3A_526 : f32 to vector<2048x1xf32>
    %select_n3A_529 = arith.select %eq3A_524, %broadcast_in_dim3A_527, %broadcast_in_dim3A_528 : vector<2048x1xi1>, vector<2048x1xf32>
    %mul3A_530 = vector.broadcast %select_n3A_529 : vector<2048x1xf32> to vector<2048x128xf32>
    %mul3A_531 = arith.mulf %mul3A_518, %mul3A_530 : vector<2048x128xf32>
    %reshape3A_532 = vector.shape_cast %mul3A_531 : vector<2048x128xf32> to vector<1x2x1024x128xf32>
    %slice3A_533 = vector.extract_strided_slice %reshape3A_532 {offsets = [0, 0, 0, 0], sizes = [1, 1, 1024, 128], strides = [1, 1, 1, 1]} : vector<1x2x1024x128xf32> to vector<1x1x1024x128xf32>
    %squeeze3A_534 = vector.shape_cast %slice3A_533 : vector<1x1x1024x128xf32> to vector<1x1024x128xf32>
    %slice3A_535 = vector.extract_strided_slice %reshape3A_532 {offsets = [0, 1, 0, 0], sizes = [1, 1, 1024, 128], strides = [1, 1, 1, 1]} : vector<1x2x1024x128xf32> to vector<1x1x1024x128xf32>
    %squeeze3A_536 = vector.shape_cast %slice3A_535 : vector<1x1x1024x128xf32> to vector<1x1024x128xf32>
    %min3A_537 = arith.minimumf %squeeze3A_534, %squeeze3A_536 : vector<1x1024x128xf32>
    %slice3A_538 = vector.extract_strided_slice %reshape3A_532 {offsets = [0, 0, 0, 0], sizes = [1, 1, 1024, 128], strides = [1, 1, 1, 1]} : vector<1x2x1024x128xf32> to vector<1x1x1024x128xf32>
    %squeeze3A_539 = vector.shape_cast %slice3A_538 : vector<1x1x1024x128xf32> to vector<1x1024x128xf32>
    %slice3A_540 = vector.extract_strided_slice %reshape3A_532 {offsets = [0, 1, 0, 0], sizes = [1, 1, 1024, 128], strides = [1, 1, 1, 1]} : vector<1x2x1024x128xf32> to vector<1x1x1024x128xf32>
    %squeeze3A_541 = vector.shape_cast %slice3A_540 : vector<1x1x1024x128xf32> to vector<1x1024x128xf32>
    %max3A_542 = arith.maximumf %squeeze3A_539, %squeeze3A_541 : vector<1x1024x128xf32>
    %broadcast_in_dim3A_543 = vector.shape_cast %min3A_537 : vector<1x1024x128xf32> to vector<1x1x1024x128xf32>
    %broadcast_in_dim3A_544 = vector.shape_cast %max3A_542 : vector<1x1024x128xf32> to vector<1x1x1024x128xf32>
    %concatenate3A_545 = tpu.concatenate %broadcast_in_dim3A_543, %broadcast_in_dim3A_544 in 1 : vector<1x1x1024x128xf32>, vector<1x1x1024x128xf32> -> vector<1x2x1024x128xf32>
    %reshape3A_546 = vector.shape_cast %concatenate3A_545 : vector<1x2x1024x128xf32> to vector<2048x128xf32>
    %reshape3A_547 = vector.shape_cast %reshape3A_546 : vector<2048x128xf32> to vector<2x2x512x128xf32>
    %slice3A_548 = vector.extract_strided_slice %reshape3A_547 {offsets = [0, 0, 0, 0], sizes = [2, 1, 512, 128], strides = [1, 1, 1, 1]} : vector<2x2x512x128xf32> to vector<2x1x512x128xf32>
    %squeeze3A_549 = vector.shape_cast %slice3A_548 : vector<2x1x512x128xf32> to vector<2x512x128xf32>
    %slice3A_550 = vector.extract_strided_slice %reshape3A_547 {offsets = [0, 1, 0, 0], sizes = [2, 1, 512, 128], strides = [1, 1, 1, 1]} : vector<2x2x512x128xf32> to vector<2x1x512x128xf32>
    %squeeze3A_551 = vector.shape_cast %slice3A_550 : vector<2x1x512x128xf32> to vector<2x512x128xf32>
    %min3A_552 = arith.minimumf %squeeze3A_549, %squeeze3A_551 : vector<2x512x128xf32>
    %slice3A_553 = vector.extract_strided_slice %reshape3A_547 {offsets = [0, 0, 0, 0], sizes = [2, 1, 512, 128], strides = [1, 1, 1, 1]} : vector<2x2x512x128xf32> to vector<2x1x512x128xf32>
    %squeeze3A_554 = vector.shape_cast %slice3A_553 : vector<2x1x512x128xf32> to vector<2x512x128xf32>
    %slice3A_555 = vector.extract_strided_slice %reshape3A_547 {offsets = [0, 1, 0, 0], sizes = [2, 1, 512, 128], strides = [1, 1, 1, 1]} : vector<2x2x512x128xf32> to vector<2x1x512x128xf32>
    %squeeze3A_556 = vector.shape_cast %slice3A_555 : vector<2x1x512x128xf32> to vector<2x512x128xf32>
    %max3A_557 = arith.maximumf %squeeze3A_554, %squeeze3A_556 : vector<2x512x128xf32>
    %broadcast_in_dim3A_558 = vector.shape_cast %min3A_552 : vector<2x512x128xf32> to vector<2x1x512x128xf32>
    %broadcast_in_dim3A_559 = vector.shape_cast %max3A_557 : vector<2x512x128xf32> to vector<2x1x512x128xf32>
    %concatenate3A_560 = tpu.concatenate %broadcast_in_dim3A_558, %broadcast_in_dim3A_559 in 1 : vector<2x1x512x128xf32>, vector<2x1x512x128xf32> -> vector<2x2x512x128xf32>
    %reshape3A_561 = vector.shape_cast %concatenate3A_560 : vector<2x2x512x128xf32> to vector<2048x128xf32>
    %reshape3A_562 = vector.shape_cast %reshape3A_561 : vector<2048x128xf32> to vector<4x2x256x128xf32>
    %slice3A_563 = vector.extract_strided_slice %reshape3A_562 {offsets = [0, 0, 0, 0], sizes = [4, 1, 256, 128], strides = [1, 1, 1, 1]} : vector<4x2x256x128xf32> to vector<4x1x256x128xf32>
    %squeeze3A_564 = vector.shape_cast %slice3A_563 : vector<4x1x256x128xf32> to vector<4x256x128xf32>
    %slice3A_565 = vector.extract_strided_slice %reshape3A_562 {offsets = [0, 1, 0, 0], sizes = [4, 1, 256, 128], strides = [1, 1, 1, 1]} : vector<4x2x256x128xf32> to vector<4x1x256x128xf32>
    %squeeze3A_566 = vector.shape_cast %slice3A_565 : vector<4x1x256x128xf32> to vector<4x256x128xf32>
    %min3A_567 = arith.minimumf %squeeze3A_564, %squeeze3A_566 : vector<4x256x128xf32>
    %slice3A_568 = vector.extract_strided_slice %reshape3A_562 {offsets = [0, 0, 0, 0], sizes = [4, 1, 256, 128], strides = [1, 1, 1, 1]} : vector<4x2x256x128xf32> to vector<4x1x256x128xf32>
    %squeeze3A_569 = vector.shape_cast %slice3A_568 : vector<4x1x256x128xf32> to vector<4x256x128xf32>
    %slice3A_570 = vector.extract_strided_slice %reshape3A_562 {offsets = [0, 1, 0, 0], sizes = [4, 1, 256, 128], strides = [1, 1, 1, 1]} : vector<4x2x256x128xf32> to vector<4x1x256x128xf32>
    %squeeze3A_571 = vector.shape_cast %slice3A_570 : vector<4x1x256x128xf32> to vector<4x256x128xf32>
    %max3A_572 = arith.maximumf %squeeze3A_569, %squeeze3A_571 : vector<4x256x128xf32>
    %broadcast_in_dim3A_573 = vector.shape_cast %min3A_567 : vector<4x256x128xf32> to vector<4x1x256x128xf32>
    %broadcast_in_dim3A_574 = vector.shape_cast %max3A_572 : vector<4x256x128xf32> to vector<4x1x256x128xf32>
    %concatenate3A_575 = tpu.concatenate %broadcast_in_dim3A_573, %broadcast_in_dim3A_574 in 1 : vector<4x1x256x128xf32>, vector<4x1x256x128xf32> -> vector<4x2x256x128xf32>
    %reshape3A_576 = vector.shape_cast %concatenate3A_575 : vector<4x2x256x128xf32> to vector<2048x128xf32>
    %reshape3A_577 = vector.shape_cast %reshape3A_576 : vector<2048x128xf32> to vector<8x2x128x128xf32>
    %slice3A_578 = vector.extract_strided_slice %reshape3A_577 {offsets = [0, 0, 0, 0], sizes = [8, 1, 128, 128], strides = [1, 1, 1, 1]} : vector<8x2x128x128xf32> to vector<8x1x128x128xf32>
    %squeeze3A_579 = vector.shape_cast %slice3A_578 : vector<8x1x128x128xf32> to vector<8x128x128xf32>
    %slice3A_580 = vector.extract_strided_slice %reshape3A_577 {offsets = [0, 1, 0, 0], sizes = [8, 1, 128, 128], strides = [1, 1, 1, 1]} : vector<8x2x128x128xf32> to vector<8x1x128x128xf32>
    %squeeze3A_581 = vector.shape_cast %slice3A_580 : vector<8x1x128x128xf32> to vector<8x128x128xf32>
    %min3A_582 = arith.minimumf %squeeze3A_579, %squeeze3A_581 : vector<8x128x128xf32>
    %slice3A_583 = vector.extract_strided_slice %reshape3A_577 {offsets = [0, 0, 0, 0], sizes = [8, 1, 128, 128], strides = [1, 1, 1, 1]} : vector<8x2x128x128xf32> to vector<8x1x128x128xf32>
    %squeeze3A_584 = vector.shape_cast %slice3A_583 : vector<8x1x128x128xf32> to vector<8x128x128xf32>
    %slice3A_585 = vector.extract_strided_slice %reshape3A_577 {offsets = [0, 1, 0, 0], sizes = [8, 1, 128, 128], strides = [1, 1, 1, 1]} : vector<8x2x128x128xf32> to vector<8x1x128x128xf32>
    %squeeze3A_586 = vector.shape_cast %slice3A_585 : vector<8x1x128x128xf32> to vector<8x128x128xf32>
    %max3A_587 = arith.maximumf %squeeze3A_584, %squeeze3A_586 : vector<8x128x128xf32>
    %broadcast_in_dim3A_588 = vector.shape_cast %min3A_582 : vector<8x128x128xf32> to vector<8x1x128x128xf32>
    %broadcast_in_dim3A_589 = vector.shape_cast %max3A_587 : vector<8x128x128xf32> to vector<8x1x128x128xf32>
    %concatenate3A_590 = tpu.concatenate %broadcast_in_dim3A_588, %broadcast_in_dim3A_589 in 1 : vector<8x1x128x128xf32>, vector<8x1x128x128xf32> -> vector<8x2x128x128xf32>
    %reshape3A_591 = vector.shape_cast %concatenate3A_590 : vector<8x2x128x128xf32> to vector<2048x128xf32>
    %reshape3A_592 = vector.shape_cast %reshape3A_591 : vector<2048x128xf32> to vector<16x2x64x128xf32>
    %slice3A_593 = vector.extract_strided_slice %reshape3A_592 {offsets = [0, 0, 0, 0], sizes = [16, 1, 64, 128], strides = [1, 1, 1, 1]} : vector<16x2x64x128xf32> to vector<16x1x64x128xf32>
    %squeeze3A_594 = vector.shape_cast %slice3A_593 : vector<16x1x64x128xf32> to vector<16x64x128xf32>
    %slice3A_595 = vector.extract_strided_slice %reshape3A_592 {offsets = [0, 1, 0, 0], sizes = [16, 1, 64, 128], strides = [1, 1, 1, 1]} : vector<16x2x64x128xf32> to vector<16x1x64x128xf32>
    %squeeze3A_596 = vector.shape_cast %slice3A_595 : vector<16x1x64x128xf32> to vector<16x64x128xf32>
    %min3A_597 = arith.minimumf %squeeze3A_594, %squeeze3A_596 : vector<16x64x128xf32>
    %slice3A_598 = vector.extract_strided_slice %reshape3A_592 {offsets = [0, 0, 0, 0], sizes = [16, 1, 64, 128], strides = [1, 1, 1, 1]} : vector<16x2x64x128xf32> to vector<16x1x64x128xf32>
    %squeeze3A_599 = vector.shape_cast %slice3A_598 : vector<16x1x64x128xf32> to vector<16x64x128xf32>
    %slice3A_600 = vector.extract_strided_slice %reshape3A_592 {offsets = [0, 1, 0, 0], sizes = [16, 1, 64, 128], strides = [1, 1, 1, 1]} : vector<16x2x64x128xf32> to vector<16x1x64x128xf32>
    %squeeze3A_601 = vector.shape_cast %slice3A_600 : vector<16x1x64x128xf32> to vector<16x64x128xf32>
    %max3A_602 = arith.maximumf %squeeze3A_599, %squeeze3A_601 : vector<16x64x128xf32>
    %broadcast_in_dim3A_603 = vector.shape_cast %min3A_597 : vector<16x64x128xf32> to vector<16x1x64x128xf32>
    %broadcast_in_dim3A_604 = vector.shape_cast %max3A_602 : vector<16x64x128xf32> to vector<16x1x64x128xf32>
    %concatenate3A_605 = tpu.concatenate %broadcast_in_dim3A_603, %broadcast_in_dim3A_604 in 1 : vector<16x1x64x128xf32>, vector<16x1x64x128xf32> -> vector<16x2x64x128xf32>
    %reshape3A_606 = vector.shape_cast %concatenate3A_605 : vector<16x2x64x128xf32> to vector<2048x128xf32>
    %reshape3A_607 = vector.shape_cast %reshape3A_606 : vector<2048x128xf32> to vector<32x2x32x128xf32>
    %slice3A_608 = vector.extract_strided_slice %reshape3A_607 {offsets = [0, 0, 0, 0], sizes = [32, 1, 32, 128], strides = [1, 1, 1, 1]} : vector<32x2x32x128xf32> to vector<32x1x32x128xf32>
    %squeeze3A_609 = vector.shape_cast %slice3A_608 : vector<32x1x32x128xf32> to vector<32x32x128xf32>
    %slice3A_610 = vector.extract_strided_slice %reshape3A_607 {offsets = [0, 1, 0, 0], sizes = [32, 1, 32, 128], strides = [1, 1, 1, 1]} : vector<32x2x32x128xf32> to vector<32x1x32x128xf32>
    %squeeze3A_611 = vector.shape_cast %slice3A_610 : vector<32x1x32x128xf32> to vector<32x32x128xf32>
    %min3A_612 = arith.minimumf %squeeze3A_609, %squeeze3A_611 : vector<32x32x128xf32>
    %slice3A_613 = vector.extract_strided_slice %reshape3A_607 {offsets = [0, 0, 0, 0], sizes = [32, 1, 32, 128], strides = [1, 1, 1, 1]} : vector<32x2x32x128xf32> to vector<32x1x32x128xf32>
    %squeeze3A_614 = vector.shape_cast %slice3A_613 : vector<32x1x32x128xf32> to vector<32x32x128xf32>
    %slice3A_615 = vector.extract_strided_slice %reshape3A_607 {offsets = [0, 1, 0, 0], sizes = [32, 1, 32, 128], strides = [1, 1, 1, 1]} : vector<32x2x32x128xf32> to vector<32x1x32x128xf32>
    %squeeze3A_616 = vector.shape_cast %slice3A_615 : vector<32x1x32x128xf32> to vector<32x32x128xf32>
    %max3A_617 = arith.maximumf %squeeze3A_614, %squeeze3A_616 : vector<32x32x128xf32>
    %broadcast_in_dim3A_618 = vector.shape_cast %min3A_612 : vector<32x32x128xf32> to vector<32x1x32x128xf32>
    %broadcast_in_dim3A_619 = vector.shape_cast %max3A_617 : vector<32x32x128xf32> to vector<32x1x32x128xf32>
    %concatenate3A_620 = tpu.concatenate %broadcast_in_dim3A_618, %broadcast_in_dim3A_619 in 1 : vector<32x1x32x128xf32>, vector<32x1x32x128xf32> -> vector<32x2x32x128xf32>
    %reshape3A_621 = vector.shape_cast %concatenate3A_620 : vector<32x2x32x128xf32> to vector<2048x128xf32>
    %reshape3A_622 = vector.shape_cast %reshape3A_621 : vector<2048x128xf32> to vector<64x2x16x128xf32>
    %slice3A_623 = vector.extract_strided_slice %reshape3A_622 {offsets = [0, 0, 0, 0], sizes = [64, 1, 16, 128], strides = [1, 1, 1, 1]} : vector<64x2x16x128xf32> to vector<64x1x16x128xf32>
    %squeeze3A_624 = vector.shape_cast %slice3A_623 : vector<64x1x16x128xf32> to vector<64x16x128xf32>
    %slice3A_625 = vector.extract_strided_slice %reshape3A_622 {offsets = [0, 1, 0, 0], sizes = [64, 1, 16, 128], strides = [1, 1, 1, 1]} : vector<64x2x16x128xf32> to vector<64x1x16x128xf32>
    %squeeze3A_626 = vector.shape_cast %slice3A_625 : vector<64x1x16x128xf32> to vector<64x16x128xf32>
    %min3A_627 = arith.minimumf %squeeze3A_624, %squeeze3A_626 : vector<64x16x128xf32>
    %slice3A_628 = vector.extract_strided_slice %reshape3A_622 {offsets = [0, 0, 0, 0], sizes = [64, 1, 16, 128], strides = [1, 1, 1, 1]} : vector<64x2x16x128xf32> to vector<64x1x16x128xf32>
    %squeeze3A_629 = vector.shape_cast %slice3A_628 : vector<64x1x16x128xf32> to vector<64x16x128xf32>
    %slice3A_630 = vector.extract_strided_slice %reshape3A_622 {offsets = [0, 1, 0, 0], sizes = [64, 1, 16, 128], strides = [1, 1, 1, 1]} : vector<64x2x16x128xf32> to vector<64x1x16x128xf32>
    %squeeze3A_631 = vector.shape_cast %slice3A_630 : vector<64x1x16x128xf32> to vector<64x16x128xf32>
    %max3A_632 = arith.maximumf %squeeze3A_629, %squeeze3A_631 : vector<64x16x128xf32>
    %broadcast_in_dim3A_633 = vector.shape_cast %min3A_627 : vector<64x16x128xf32> to vector<64x1x16x128xf32>
    %broadcast_in_dim3A_634 = vector.shape_cast %max3A_632 : vector<64x16x128xf32> to vector<64x1x16x128xf32>
    %concatenate3A_635 = tpu.concatenate %broadcast_in_dim3A_633, %broadcast_in_dim3A_634 in 1 : vector<64x1x16x128xf32>, vector<64x1x16x128xf32> -> vector<64x2x16x128xf32>
    %reshape3A_636 = vector.shape_cast %concatenate3A_635 : vector<64x2x16x128xf32> to vector<2048x128xf32>
    %reshape3A_637 = vector.shape_cast %reshape3A_636 : vector<2048x128xf32> to vector<128x2x8x128xf32>
    %slice3A_638 = vector.extract_strided_slice %reshape3A_637 {offsets = [0, 0, 0, 0], sizes = [128, 1, 8, 128], strides = [1, 1, 1, 1]} : vector<128x2x8x128xf32> to vector<128x1x8x128xf32>
    %squeeze3A_639 = vector.shape_cast %slice3A_638 : vector<128x1x8x128xf32> to vector<128x8x128xf32>
    %slice3A_640 = vector.extract_strided_slice %reshape3A_637 {offsets = [0, 1, 0, 0], sizes = [128, 1, 8, 128], strides = [1, 1, 1, 1]} : vector<128x2x8x128xf32> to vector<128x1x8x128xf32>
    %squeeze3A_641 = vector.shape_cast %slice3A_640 : vector<128x1x8x128xf32> to vector<128x8x128xf32>
    %min3A_642 = arith.minimumf %squeeze3A_639, %squeeze3A_641 : vector<128x8x128xf32>
    %slice3A_643 = vector.extract_strided_slice %reshape3A_637 {offsets = [0, 0, 0, 0], sizes = [128, 1, 8, 128], strides = [1, 1, 1, 1]} : vector<128x2x8x128xf32> to vector<128x1x8x128xf32>
    %squeeze3A_644 = vector.shape_cast %slice3A_643 : vector<128x1x8x128xf32> to vector<128x8x128xf32>
    %slice3A_645 = vector.extract_strided_slice %reshape3A_637 {offsets = [0, 1, 0, 0], sizes = [128, 1, 8, 128], strides = [1, 1, 1, 1]} : vector<128x2x8x128xf32> to vector<128x1x8x128xf32>
    %squeeze3A_646 = vector.shape_cast %slice3A_645 : vector<128x1x8x128xf32> to vector<128x8x128xf32>
    %max3A_647 = arith.maximumf %squeeze3A_644, %squeeze3A_646 : vector<128x8x128xf32>
    %broadcast_in_dim3A_648 = vector.shape_cast %min3A_642 : vector<128x8x128xf32> to vector<128x1x8x128xf32>
    %broadcast_in_dim3A_649 = vector.shape_cast %max3A_647 : vector<128x8x128xf32> to vector<128x1x8x128xf32>
    %concatenate3A_650 = tpu.concatenate %broadcast_in_dim3A_648, %broadcast_in_dim3A_649 in 1 : vector<128x1x8x128xf32>, vector<128x1x8x128xf32> -> vector<128x2x8x128xf32>
    %reshape3A_651 = vector.shape_cast %concatenate3A_650 : vector<128x2x8x128xf32> to vector<2048x128xf32>
    %mul3A_652 = vector.broadcast %select_n3A_529 : vector<2048x1xf32> to vector<2048x128xf32>
    %mul3A_653 = arith.mulf %reshape3A_651, %mul3A_652 : vector<2048x128xf32>
    %and3A_654 = arith.constant 2 : i32
    %and3A_655 = vector.broadcast %and3A_654 : i32 to vector<2048x1xi32>
    %and3A_656 = arith.andi %iota3A, %and3A_655 : vector<2048x1xi32>
    %eq3A_657 = arith.constant 0 : i32
    %eq3A_658 = vector.broadcast %eq3A_657 : i32 to vector<2048x1xi32>
    %eq3A_659 = arith.cmpi eq, %and3A_656, %eq3A_658 : vector<2048x1xi32>
    %jit3A_660 = arith.constant 1.000000e+00 : f32
    %jit3A_661 = arith.constant -1.000000e+00 : f32
    %broadcast_in_dim3A_662 = vector.broadcast %jit3A_660 : f32 to vector<2048x1xf32>
    %broadcast_in_dim3A_663 = vector.broadcast %jit3A_661 : f32 to vector<2048x1xf32>
    %select_n3A_664 = arith.select %eq3A_659, %broadcast_in_dim3A_662, %broadcast_in_dim3A_663 : vector<2048x1xi1>, vector<2048x1xf32>
    %mul3A_665 = vector.broadcast %select_n3A_664 : vector<2048x1xf32> to vector<2048x128xf32>
    %mul3A_666 = arith.mulf %mul3A_653, %mul3A_665 : vector<2048x128xf32>
    %slice3A_667 = vector.extract_strided_slice %mul3A_666 {offsets = [4, 0], sizes = [2044, 128], strides = [1, 1]} : vector<2048x128xf32> to vector<2044x128xf32>
    %slice3A_668 = vector.extract_strided_slice %mul3A_666 {offsets = [0, 0], sizes = [4, 128], strides = [1, 1]} : vector<2048x128xf32> to vector<4x128xf32>
    %concatenate3A_669 = tpu.concatenate %slice3A_667, %slice3A_668 in 0 : vector<2044x128xf32>, vector<4x128xf32> -> vector<2048x128xf32>
    %slice3A_670 = vector.extract_strided_slice %mul3A_666 {offsets = [2044, 0], sizes = [4, 128], strides = [1, 1]} : vector<2048x128xf32> to vector<4x128xf32>
    %slice3A_671 = vector.extract_strided_slice %mul3A_666 {offsets = [0, 0], sizes = [2044, 128], strides = [1, 1]} : vector<2048x128xf32> to vector<2044x128xf32>
    %concatenate3A_672 = tpu.concatenate %slice3A_670, %slice3A_671 in 0 : vector<4x128xf32>, vector<2044x128xf32> -> vector<2048x128xf32>
    %and3A_673 = arith.constant 4 : i32
    %and3A_674 = vector.broadcast %and3A_673 : i32 to vector<2048x1xi32>
    %and3A_675 = arith.andi %iota3A, %and3A_674 : vector<2048x1xi32>
    %eq3A_676 = arith.constant 0 : i32
    %eq3A_677 = vector.broadcast %eq3A_676 : i32 to vector<2048x1xi32>
    %eq3A_678 = arith.cmpi eq, %and3A_675, %eq3A_677 : vector<2048x1xi32>
    %broadcast_in_dim3A_679 = vector.shape_cast %eq3A_678 : vector<2048x1xi1> to vector<2048x1xi1>
    %broadcast_in_dim3A_680 = vector.broadcast %broadcast_in_dim3A_679 : vector<2048x1xi1> to vector<2048x128xi1>
    %select_n3A_681 = arith.select %broadcast_in_dim3A_680, %concatenate3A_669, %concatenate3A_672 : vector<2048x128xi1>, vector<2048x128xf32>
    %min3A_682 = arith.minimumf %mul3A_666, %select_n3A_681 : vector<2048x128xf32>
    %max3A_683 = arith.maximumf %mul3A_666, %select_n3A_681 : vector<2048x128xf32>
    %broadcast_in_dim3A_684 = vector.shape_cast %eq3A_678 : vector<2048x1xi1> to vector<2048x1xi1>
    %broadcast_in_dim3A_685 = vector.broadcast %broadcast_in_dim3A_684 : vector<2048x1xi1> to vector<2048x128xi1>
    %select_n3A_686 = arith.select %broadcast_in_dim3A_685, %min3A_682, %max3A_683 : vector<2048x128xi1>, vector<2048x128xf32>
    %reshape3A_687 = vector.shape_cast %select_n3A_686 : vector<2048x128xf32> to vector<1x2x1024x128xf32>
    %slice3A_688 = vector.extract_strided_slice %reshape3A_687 {offsets = [0, 0, 0, 0], sizes = [1, 1, 1024, 128], strides = [1, 1, 1, 1]} : vector<1x2x1024x128xf32> to vector<1x1x1024x128xf32>
    %squeeze3A_689 = vector.shape_cast %slice3A_688 : vector<1x1x1024x128xf32> to vector<1x1024x128xf32>
    %slice3A_690 = vector.extract_strided_slice %reshape3A_687 {offsets = [0, 1, 0, 0], sizes = [1, 1, 1024, 128], strides = [1, 1, 1, 1]} : vector<1x2x1024x128xf32> to vector<1x1x1024x128xf32>
    %squeeze3A_691 = vector.shape_cast %slice3A_690 : vector<1x1x1024x128xf32> to vector<1x1024x128xf32>
    %min3A_692 = arith.minimumf %squeeze3A_689, %squeeze3A_691 : vector<1x1024x128xf32>
    %slice3A_693 = vector.extract_strided_slice %reshape3A_687 {offsets = [0, 0, 0, 0], sizes = [1, 1, 1024, 128], strides = [1, 1, 1, 1]} : vector<1x2x1024x128xf32> to vector<1x1x1024x128xf32>
    %squeeze3A_694 = vector.shape_cast %slice3A_693 : vector<1x1x1024x128xf32> to vector<1x1024x128xf32>
    %slice3A_695 = vector.extract_strided_slice %reshape3A_687 {offsets = [0, 1, 0, 0], sizes = [1, 1, 1024, 128], strides = [1, 1, 1, 1]} : vector<1x2x1024x128xf32> to vector<1x1x1024x128xf32>
    %squeeze3A_696 = vector.shape_cast %slice3A_695 : vector<1x1x1024x128xf32> to vector<1x1024x128xf32>
    %max3A_697 = arith.maximumf %squeeze3A_694, %squeeze3A_696 : vector<1x1024x128xf32>
    %broadcast_in_dim3A_698 = vector.shape_cast %min3A_692 : vector<1x1024x128xf32> to vector<1x1x1024x128xf32>
    %broadcast_in_dim3A_699 = vector.shape_cast %max3A_697 : vector<1x1024x128xf32> to vector<1x1x1024x128xf32>
    %concatenate3A_700 = tpu.concatenate %broadcast_in_dim3A_698, %broadcast_in_dim3A_699 in 1 : vector<1x1x1024x128xf32>, vector<1x1x1024x128xf32> -> vector<1x2x1024x128xf32>
    %reshape3A_701 = vector.shape_cast %concatenate3A_700 : vector<1x2x1024x128xf32> to vector<2048x128xf32>
    %reshape3A_702 = vector.shape_cast %reshape3A_701 : vector<2048x128xf32> to vector<2x2x512x128xf32>
    %slice3A_703 = vector.extract_strided_slice %reshape3A_702 {offsets = [0, 0, 0, 0], sizes = [2, 1, 512, 128], strides = [1, 1, 1, 1]} : vector<2x2x512x128xf32> to vector<2x1x512x128xf32>
    %squeeze3A_704 = vector.shape_cast %slice3A_703 : vector<2x1x512x128xf32> to vector<2x512x128xf32>
    %slice3A_705 = vector.extract_strided_slice %reshape3A_702 {offsets = [0, 1, 0, 0], sizes = [2, 1, 512, 128], strides = [1, 1, 1, 1]} : vector<2x2x512x128xf32> to vector<2x1x512x128xf32>
    %squeeze3A_706 = vector.shape_cast %slice3A_705 : vector<2x1x512x128xf32> to vector<2x512x128xf32>
    %min3A_707 = arith.minimumf %squeeze3A_704, %squeeze3A_706 : vector<2x512x128xf32>
    %slice3A_708 = vector.extract_strided_slice %reshape3A_702 {offsets = [0, 0, 0, 0], sizes = [2, 1, 512, 128], strides = [1, 1, 1, 1]} : vector<2x2x512x128xf32> to vector<2x1x512x128xf32>
    %squeeze3A_709 = vector.shape_cast %slice3A_708 : vector<2x1x512x128xf32> to vector<2x512x128xf32>
    %slice3A_710 = vector.extract_strided_slice %reshape3A_702 {offsets = [0, 1, 0, 0], sizes = [2, 1, 512, 128], strides = [1, 1, 1, 1]} : vector<2x2x512x128xf32> to vector<2x1x512x128xf32>
    %squeeze3A_711 = vector.shape_cast %slice3A_710 : vector<2x1x512x128xf32> to vector<2x512x128xf32>
    %max3A_712 = arith.maximumf %squeeze3A_709, %squeeze3A_711 : vector<2x512x128xf32>
    %broadcast_in_dim3A_713 = vector.shape_cast %min3A_707 : vector<2x512x128xf32> to vector<2x1x512x128xf32>
    %broadcast_in_dim3A_714 = vector.shape_cast %max3A_712 : vector<2x512x128xf32> to vector<2x1x512x128xf32>
    %concatenate3A_715 = tpu.concatenate %broadcast_in_dim3A_713, %broadcast_in_dim3A_714 in 1 : vector<2x1x512x128xf32>, vector<2x1x512x128xf32> -> vector<2x2x512x128xf32>
    %reshape3A_716 = vector.shape_cast %concatenate3A_715 : vector<2x2x512x128xf32> to vector<2048x128xf32>
    %reshape3A_717 = vector.shape_cast %reshape3A_716 : vector<2048x128xf32> to vector<4x2x256x128xf32>
    %slice3A_718 = vector.extract_strided_slice %reshape3A_717 {offsets = [0, 0, 0, 0], sizes = [4, 1, 256, 128], strides = [1, 1, 1, 1]} : vector<4x2x256x128xf32> to vector<4x1x256x128xf32>
    %squeeze3A_719 = vector.shape_cast %slice3A_718 : vector<4x1x256x128xf32> to vector<4x256x128xf32>
    %slice3A_720 = vector.extract_strided_slice %reshape3A_717 {offsets = [0, 1, 0, 0], sizes = [4, 1, 256, 128], strides = [1, 1, 1, 1]} : vector<4x2x256x128xf32> to vector<4x1x256x128xf32>
    %squeeze3A_721 = vector.shape_cast %slice3A_720 : vector<4x1x256x128xf32> to vector<4x256x128xf32>
    %min3A_722 = arith.minimumf %squeeze3A_719, %squeeze3A_721 : vector<4x256x128xf32>
    %slice3A_723 = vector.extract_strided_slice %reshape3A_717 {offsets = [0, 0, 0, 0], sizes = [4, 1, 256, 128], strides = [1, 1, 1, 1]} : vector<4x2x256x128xf32> to vector<4x1x256x128xf32>
    %squeeze3A_724 = vector.shape_cast %slice3A_723 : vector<4x1x256x128xf32> to vector<4x256x128xf32>
    %slice3A_725 = vector.extract_strided_slice %reshape3A_717 {offsets = [0, 1, 0, 0], sizes = [4, 1, 256, 128], strides = [1, 1, 1, 1]} : vector<4x2x256x128xf32> to vector<4x1x256x128xf32>
    %squeeze3A_726 = vector.shape_cast %slice3A_725 : vector<4x1x256x128xf32> to vector<4x256x128xf32>
    %max3A_727 = arith.maximumf %squeeze3A_724, %squeeze3A_726 : vector<4x256x128xf32>
    %broadcast_in_dim3A_728 = vector.shape_cast %min3A_722 : vector<4x256x128xf32> to vector<4x1x256x128xf32>
    %broadcast_in_dim3A_729 = vector.shape_cast %max3A_727 : vector<4x256x128xf32> to vector<4x1x256x128xf32>
    %concatenate3A_730 = tpu.concatenate %broadcast_in_dim3A_728, %broadcast_in_dim3A_729 in 1 : vector<4x1x256x128xf32>, vector<4x1x256x128xf32> -> vector<4x2x256x128xf32>
    %reshape3A_731 = vector.shape_cast %concatenate3A_730 : vector<4x2x256x128xf32> to vector<2048x128xf32>
    %reshape3A_732 = vector.shape_cast %reshape3A_731 : vector<2048x128xf32> to vector<8x2x128x128xf32>
    %slice3A_733 = vector.extract_strided_slice %reshape3A_732 {offsets = [0, 0, 0, 0], sizes = [8, 1, 128, 128], strides = [1, 1, 1, 1]} : vector<8x2x128x128xf32> to vector<8x1x128x128xf32>
    %squeeze3A_734 = vector.shape_cast %slice3A_733 : vector<8x1x128x128xf32> to vector<8x128x128xf32>
    %slice3A_735 = vector.extract_strided_slice %reshape3A_732 {offsets = [0, 1, 0, 0], sizes = [8, 1, 128, 128], strides = [1, 1, 1, 1]} : vector<8x2x128x128xf32> to vector<8x1x128x128xf32>
    %squeeze3A_736 = vector.shape_cast %slice3A_735 : vector<8x1x128x128xf32> to vector<8x128x128xf32>
    %min3A_737 = arith.minimumf %squeeze3A_734, %squeeze3A_736 : vector<8x128x128xf32>
    %slice3A_738 = vector.extract_strided_slice %reshape3A_732 {offsets = [0, 0, 0, 0], sizes = [8, 1, 128, 128], strides = [1, 1, 1, 1]} : vector<8x2x128x128xf32> to vector<8x1x128x128xf32>
    %squeeze3A_739 = vector.shape_cast %slice3A_738 : vector<8x1x128x128xf32> to vector<8x128x128xf32>
    %slice3A_740 = vector.extract_strided_slice %reshape3A_732 {offsets = [0, 1, 0, 0], sizes = [8, 1, 128, 128], strides = [1, 1, 1, 1]} : vector<8x2x128x128xf32> to vector<8x1x128x128xf32>
    %squeeze3A_741 = vector.shape_cast %slice3A_740 : vector<8x1x128x128xf32> to vector<8x128x128xf32>
    %max3A_742 = arith.maximumf %squeeze3A_739, %squeeze3A_741 : vector<8x128x128xf32>
    %broadcast_in_dim3A_743 = vector.shape_cast %min3A_737 : vector<8x128x128xf32> to vector<8x1x128x128xf32>
    %broadcast_in_dim3A_744 = vector.shape_cast %max3A_742 : vector<8x128x128xf32> to vector<8x1x128x128xf32>
    %concatenate3A_745 = tpu.concatenate %broadcast_in_dim3A_743, %broadcast_in_dim3A_744 in 1 : vector<8x1x128x128xf32>, vector<8x1x128x128xf32> -> vector<8x2x128x128xf32>
    %reshape3A_746 = vector.shape_cast %concatenate3A_745 : vector<8x2x128x128xf32> to vector<2048x128xf32>
    %reshape3A_747 = vector.shape_cast %reshape3A_746 : vector<2048x128xf32> to vector<16x2x64x128xf32>
    %slice3A_748 = vector.extract_strided_slice %reshape3A_747 {offsets = [0, 0, 0, 0], sizes = [16, 1, 64, 128], strides = [1, 1, 1, 1]} : vector<16x2x64x128xf32> to vector<16x1x64x128xf32>
    %squeeze3A_749 = vector.shape_cast %slice3A_748 : vector<16x1x64x128xf32> to vector<16x64x128xf32>
    %slice3A_750 = vector.extract_strided_slice %reshape3A_747 {offsets = [0, 1, 0, 0], sizes = [16, 1, 64, 128], strides = [1, 1, 1, 1]} : vector<16x2x64x128xf32> to vector<16x1x64x128xf32>
    %squeeze3A_751 = vector.shape_cast %slice3A_750 : vector<16x1x64x128xf32> to vector<16x64x128xf32>
    %min3A_752 = arith.minimumf %squeeze3A_749, %squeeze3A_751 : vector<16x64x128xf32>
    %slice3A_753 = vector.extract_strided_slice %reshape3A_747 {offsets = [0, 0, 0, 0], sizes = [16, 1, 64, 128], strides = [1, 1, 1, 1]} : vector<16x2x64x128xf32> to vector<16x1x64x128xf32>
    %squeeze3A_754 = vector.shape_cast %slice3A_753 : vector<16x1x64x128xf32> to vector<16x64x128xf32>
    %slice3A_755 = vector.extract_strided_slice %reshape3A_747 {offsets = [0, 1, 0, 0], sizes = [16, 1, 64, 128], strides = [1, 1, 1, 1]} : vector<16x2x64x128xf32> to vector<16x1x64x128xf32>
    %squeeze3A_756 = vector.shape_cast %slice3A_755 : vector<16x1x64x128xf32> to vector<16x64x128xf32>
    %max3A_757 = arith.maximumf %squeeze3A_754, %squeeze3A_756 : vector<16x64x128xf32>
    %broadcast_in_dim3A_758 = vector.shape_cast %min3A_752 : vector<16x64x128xf32> to vector<16x1x64x128xf32>
    %broadcast_in_dim3A_759 = vector.shape_cast %max3A_757 : vector<16x64x128xf32> to vector<16x1x64x128xf32>
    %concatenate3A_760 = tpu.concatenate %broadcast_in_dim3A_758, %broadcast_in_dim3A_759 in 1 : vector<16x1x64x128xf32>, vector<16x1x64x128xf32> -> vector<16x2x64x128xf32>
    %reshape3A_761 = vector.shape_cast %concatenate3A_760 : vector<16x2x64x128xf32> to vector<2048x128xf32>
    %reshape3A_762 = vector.shape_cast %reshape3A_761 : vector<2048x128xf32> to vector<32x2x32x128xf32>
    %slice3A_763 = vector.extract_strided_slice %reshape3A_762 {offsets = [0, 0, 0, 0], sizes = [32, 1, 32, 128], strides = [1, 1, 1, 1]} : vector<32x2x32x128xf32> to vector<32x1x32x128xf32>
    %squeeze3A_764 = vector.shape_cast %slice3A_763 : vector<32x1x32x128xf32> to vector<32x32x128xf32>
    %slice3A_765 = vector.extract_strided_slice %reshape3A_762 {offsets = [0, 1, 0, 0], sizes = [32, 1, 32, 128], strides = [1, 1, 1, 1]} : vector<32x2x32x128xf32> to vector<32x1x32x128xf32>
    %squeeze3A_766 = vector.shape_cast %slice3A_765 : vector<32x1x32x128xf32> to vector<32x32x128xf32>
    %min3A_767 = arith.minimumf %squeeze3A_764, %squeeze3A_766 : vector<32x32x128xf32>
    %slice3A_768 = vector.extract_strided_slice %reshape3A_762 {offsets = [0, 0, 0, 0], sizes = [32, 1, 32, 128], strides = [1, 1, 1, 1]} : vector<32x2x32x128xf32> to vector<32x1x32x128xf32>
    %squeeze3A_769 = vector.shape_cast %slice3A_768 : vector<32x1x32x128xf32> to vector<32x32x128xf32>
    %slice3A_770 = vector.extract_strided_slice %reshape3A_762 {offsets = [0, 1, 0, 0], sizes = [32, 1, 32, 128], strides = [1, 1, 1, 1]} : vector<32x2x32x128xf32> to vector<32x1x32x128xf32>
    %squeeze3A_771 = vector.shape_cast %slice3A_770 : vector<32x1x32x128xf32> to vector<32x32x128xf32>
    %max3A_772 = arith.maximumf %squeeze3A_769, %squeeze3A_771 : vector<32x32x128xf32>
    %broadcast_in_dim3A_773 = vector.shape_cast %min3A_767 : vector<32x32x128xf32> to vector<32x1x32x128xf32>
    %broadcast_in_dim3A_774 = vector.shape_cast %max3A_772 : vector<32x32x128xf32> to vector<32x1x32x128xf32>
    %concatenate3A_775 = tpu.concatenate %broadcast_in_dim3A_773, %broadcast_in_dim3A_774 in 1 : vector<32x1x32x128xf32>, vector<32x1x32x128xf32> -> vector<32x2x32x128xf32>
    %reshape3A_776 = vector.shape_cast %concatenate3A_775 : vector<32x2x32x128xf32> to vector<2048x128xf32>
    %reshape3A_777 = vector.shape_cast %reshape3A_776 : vector<2048x128xf32> to vector<64x2x16x128xf32>
    %slice3A_778 = vector.extract_strided_slice %reshape3A_777 {offsets = [0, 0, 0, 0], sizes = [64, 1, 16, 128], strides = [1, 1, 1, 1]} : vector<64x2x16x128xf32> to vector<64x1x16x128xf32>
    %squeeze3A_779 = vector.shape_cast %slice3A_778 : vector<64x1x16x128xf32> to vector<64x16x128xf32>
    %slice3A_780 = vector.extract_strided_slice %reshape3A_777 {offsets = [0, 1, 0, 0], sizes = [64, 1, 16, 128], strides = [1, 1, 1, 1]} : vector<64x2x16x128xf32> to vector<64x1x16x128xf32>
    %squeeze3A_781 = vector.shape_cast %slice3A_780 : vector<64x1x16x128xf32> to vector<64x16x128xf32>
    %min3A_782 = arith.minimumf %squeeze3A_779, %squeeze3A_781 : vector<64x16x128xf32>
    %slice3A_783 = vector.extract_strided_slice %reshape3A_777 {offsets = [0, 0, 0, 0], sizes = [64, 1, 16, 128], strides = [1, 1, 1, 1]} : vector<64x2x16x128xf32> to vector<64x1x16x128xf32>
    %squeeze3A_784 = vector.shape_cast %slice3A_783 : vector<64x1x16x128xf32> to vector<64x16x128xf32>
    %slice3A_785 = vector.extract_strided_slice %reshape3A_777 {offsets = [0, 1, 0, 0], sizes = [64, 1, 16, 128], strides = [1, 1, 1, 1]} : vector<64x2x16x128xf32> to vector<64x1x16x128xf32>
    %squeeze3A_786 = vector.shape_cast %slice3A_785 : vector<64x1x16x128xf32> to vector<64x16x128xf32>
    %max3A_787 = arith.maximumf %squeeze3A_784, %squeeze3A_786 : vector<64x16x128xf32>
    %broadcast_in_dim3A_788 = vector.shape_cast %min3A_782 : vector<64x16x128xf32> to vector<64x1x16x128xf32>
    %broadcast_in_dim3A_789 = vector.shape_cast %max3A_787 : vector<64x16x128xf32> to vector<64x1x16x128xf32>
    %concatenate3A_790 = tpu.concatenate %broadcast_in_dim3A_788, %broadcast_in_dim3A_789 in 1 : vector<64x1x16x128xf32>, vector<64x1x16x128xf32> -> vector<64x2x16x128xf32>
    %reshape3A_791 = vector.shape_cast %concatenate3A_790 : vector<64x2x16x128xf32> to vector<2048x128xf32>
    %reshape3A_792 = vector.shape_cast %reshape3A_791 : vector<2048x128xf32> to vector<128x2x8x128xf32>
    %slice3A_793 = vector.extract_strided_slice %reshape3A_792 {offsets = [0, 0, 0, 0], sizes = [128, 1, 8, 128], strides = [1, 1, 1, 1]} : vector<128x2x8x128xf32> to vector<128x1x8x128xf32>
    %squeeze3A_794 = vector.shape_cast %slice3A_793 : vector<128x1x8x128xf32> to vector<128x8x128xf32>
    %slice3A_795 = vector.extract_strided_slice %reshape3A_792 {offsets = [0, 1, 0, 0], sizes = [128, 1, 8, 128], strides = [1, 1, 1, 1]} : vector<128x2x8x128xf32> to vector<128x1x8x128xf32>
    %squeeze3A_796 = vector.shape_cast %slice3A_795 : vector<128x1x8x128xf32> to vector<128x8x128xf32>
    %min3A_797 = arith.minimumf %squeeze3A_794, %squeeze3A_796 : vector<128x8x128xf32>
    %slice3A_798 = vector.extract_strided_slice %reshape3A_792 {offsets = [0, 0, 0, 0], sizes = [128, 1, 8, 128], strides = [1, 1, 1, 1]} : vector<128x2x8x128xf32> to vector<128x1x8x128xf32>
    %squeeze3A_799 = vector.shape_cast %slice3A_798 : vector<128x1x8x128xf32> to vector<128x8x128xf32>
    %slice3A_800 = vector.extract_strided_slice %reshape3A_792 {offsets = [0, 1, 0, 0], sizes = [128, 1, 8, 128], strides = [1, 1, 1, 1]} : vector<128x2x8x128xf32> to vector<128x1x8x128xf32>
    %squeeze3A_801 = vector.shape_cast %slice3A_800 : vector<128x1x8x128xf32> to vector<128x8x128xf32>
    %max3A_802 = arith.maximumf %squeeze3A_799, %squeeze3A_801 : vector<128x8x128xf32>
    %broadcast_in_dim3A_803 = vector.shape_cast %min3A_797 : vector<128x8x128xf32> to vector<128x1x8x128xf32>
    %broadcast_in_dim3A_804 = vector.shape_cast %max3A_802 : vector<128x8x128xf32> to vector<128x1x8x128xf32>
    %concatenate3A_805 = tpu.concatenate %broadcast_in_dim3A_803, %broadcast_in_dim3A_804 in 1 : vector<128x1x8x128xf32>, vector<128x1x8x128xf32> -> vector<128x2x8x128xf32>
    %reshape3A_806 = vector.shape_cast %concatenate3A_805 : vector<128x2x8x128xf32> to vector<2048x128xf32>
    %mul3A_807 = vector.broadcast %select_n3A_664 : vector<2048x1xf32> to vector<2048x128xf32>
    %mul3A_808 = arith.mulf %reshape3A_806, %mul3A_807 : vector<2048x128xf32>
    %and3A_809 = arith.constant 1 : i32
    %and3A_810 = vector.broadcast %and3A_809 : i32 to vector<2048x1xi32>
    %and3A_811 = arith.andi %iota3A, %and3A_810 : vector<2048x1xi32>
    %eq3A_812 = arith.constant 0 : i32
    %eq3A_813 = vector.broadcast %eq3A_812 : i32 to vector<2048x1xi32>
    %eq3A_814 = arith.cmpi eq, %and3A_811, %eq3A_813 : vector<2048x1xi32>
    %jit3A_815 = arith.constant 1.000000e+00 : f32
    %jit3A_816 = arith.constant -1.000000e+00 : f32
    %broadcast_in_dim3A_817 = vector.broadcast %jit3A_815 : f32 to vector<2048x1xf32>
    %broadcast_in_dim3A_818 = vector.broadcast %jit3A_816 : f32 to vector<2048x1xf32>
    %select_n3A_819 = arith.select %eq3A_814, %broadcast_in_dim3A_817, %broadcast_in_dim3A_818 : vector<2048x1xi1>, vector<2048x1xf32>
    %mul3A_820 = vector.broadcast %select_n3A_819 : vector<2048x1xf32> to vector<2048x128xf32>
    %mul3A_821 = arith.mulf %mul3A_808, %mul3A_820 : vector<2048x128xf32>
    %slice3A_822 = vector.extract_strided_slice %mul3A_821 {offsets = [2, 0], sizes = [2046, 128], strides = [1, 1]} : vector<2048x128xf32> to vector<2046x128xf32>
    %slice3A_823 = vector.extract_strided_slice %mul3A_821 {offsets = [0, 0], sizes = [2, 128], strides = [1, 1]} : vector<2048x128xf32> to vector<2x128xf32>
    %concatenate3A_824 = tpu.concatenate %slice3A_822, %slice3A_823 in 0 : vector<2046x128xf32>, vector<2x128xf32> -> vector<2048x128xf32>
    %slice3A_825 = vector.extract_strided_slice %mul3A_821 {offsets = [2046, 0], sizes = [2, 128], strides = [1, 1]} : vector<2048x128xf32> to vector<2x128xf32>
    %slice3A_826 = vector.extract_strided_slice %mul3A_821 {offsets = [0, 0], sizes = [2046, 128], strides = [1, 1]} : vector<2048x128xf32> to vector<2046x128xf32>
    %concatenate3A_827 = tpu.concatenate %slice3A_825, %slice3A_826 in 0 : vector<2x128xf32>, vector<2046x128xf32> -> vector<2048x128xf32>
    %and3A_828 = arith.constant 2 : i32
    %and3A_829 = vector.broadcast %and3A_828 : i32 to vector<2048x1xi32>
    %and3A_830 = arith.andi %iota3A, %and3A_829 : vector<2048x1xi32>
    %eq3A_831 = arith.constant 0 : i32
    %eq3A_832 = vector.broadcast %eq3A_831 : i32 to vector<2048x1xi32>
    %eq3A_833 = arith.cmpi eq, %and3A_830, %eq3A_832 : vector<2048x1xi32>
    %broadcast_in_dim3A_834 = vector.shape_cast %eq3A_833 : vector<2048x1xi1> to vector<2048x1xi1>
    %broadcast_in_dim3A_835 = vector.broadcast %broadcast_in_dim3A_834 : vector<2048x1xi1> to vector<2048x128xi1>
    %select_n3A_836 = arith.select %broadcast_in_dim3A_835, %concatenate3A_824, %concatenate3A_827 : vector<2048x128xi1>, vector<2048x128xf32>
    %min3A_837 = arith.minimumf %mul3A_821, %select_n3A_836 : vector<2048x128xf32>
    %max3A_838 = arith.maximumf %mul3A_821, %select_n3A_836 : vector<2048x128xf32>
    %broadcast_in_dim3A_839 = vector.shape_cast %eq3A_833 : vector<2048x1xi1> to vector<2048x1xi1>
    %broadcast_in_dim3A_840 = vector.broadcast %broadcast_in_dim3A_839 : vector<2048x1xi1> to vector<2048x128xi1>
    %select_n3A_841 = arith.select %broadcast_in_dim3A_840, %min3A_837, %max3A_838 : vector<2048x128xi1>, vector<2048x128xf32>
    %slice3A_842 = vector.extract_strided_slice %select_n3A_841 {offsets = [4, 0], sizes = [2044, 128], strides = [1, 1]} : vector<2048x128xf32> to vector<2044x128xf32>
    %slice3A_843 = vector.extract_strided_slice %select_n3A_841 {offsets = [0, 0], sizes = [4, 128], strides = [1, 1]} : vector<2048x128xf32> to vector<4x128xf32>
    %concatenate3A_844 = tpu.concatenate %slice3A_842, %slice3A_843 in 0 : vector<2044x128xf32>, vector<4x128xf32> -> vector<2048x128xf32>
    %slice3A_845 = vector.extract_strided_slice %select_n3A_841 {offsets = [2044, 0], sizes = [4, 128], strides = [1, 1]} : vector<2048x128xf32> to vector<4x128xf32>
    %slice3A_846 = vector.extract_strided_slice %select_n3A_841 {offsets = [0, 0], sizes = [2044, 128], strides = [1, 1]} : vector<2048x128xf32> to vector<2044x128xf32>
    %concatenate3A_847 = tpu.concatenate %slice3A_845, %slice3A_846 in 0 : vector<4x128xf32>, vector<2044x128xf32> -> vector<2048x128xf32>
    %and3A_848 = arith.constant 4 : i32
    %and3A_849 = vector.broadcast %and3A_848 : i32 to vector<2048x1xi32>
    %and3A_850 = arith.andi %iota3A, %and3A_849 : vector<2048x1xi32>
    %eq3A_851 = arith.constant 0 : i32
    %eq3A_852 = vector.broadcast %eq3A_851 : i32 to vector<2048x1xi32>
    %eq3A_853 = arith.cmpi eq, %and3A_850, %eq3A_852 : vector<2048x1xi32>
    %broadcast_in_dim3A_854 = vector.shape_cast %eq3A_853 : vector<2048x1xi1> to vector<2048x1xi1>
    %broadcast_in_dim3A_855 = vector.broadcast %broadcast_in_dim3A_854 : vector<2048x1xi1> to vector<2048x128xi1>
    %select_n3A_856 = arith.select %broadcast_in_dim3A_855, %concatenate3A_844, %concatenate3A_847 : vector<2048x128xi1>, vector<2048x128xf32>
    %min3A_857 = arith.minimumf %select_n3A_841, %select_n3A_856 : vector<2048x128xf32>
    %max3A_858 = arith.maximumf %select_n3A_841, %select_n3A_856 : vector<2048x128xf32>
    %broadcast_in_dim3A_859 = vector.shape_cast %eq3A_853 : vector<2048x1xi1> to vector<2048x1xi1>
    %broadcast_in_dim3A_860 = vector.broadcast %broadcast_in_dim3A_859 : vector<2048x1xi1> to vector<2048x128xi1>
    %select_n3A_861 = arith.select %broadcast_in_dim3A_860, %min3A_857, %max3A_858 : vector<2048x128xi1>, vector<2048x128xf32>
    %reshape3A_862 = vector.shape_cast %select_n3A_861 : vector<2048x128xf32> to vector<1x2x1024x128xf32>
    %slice3A_863 = vector.extract_strided_slice %reshape3A_862 {offsets = [0, 0, 0, 0], sizes = [1, 1, 1024, 128], strides = [1, 1, 1, 1]} : vector<1x2x1024x128xf32> to vector<1x1x1024x128xf32>
    %squeeze3A_864 = vector.shape_cast %slice3A_863 : vector<1x1x1024x128xf32> to vector<1x1024x128xf32>
    %slice3A_865 = vector.extract_strided_slice %reshape3A_862 {offsets = [0, 1, 0, 0], sizes = [1, 1, 1024, 128], strides = [1, 1, 1, 1]} : vector<1x2x1024x128xf32> to vector<1x1x1024x128xf32>
    %squeeze3A_866 = vector.shape_cast %slice3A_865 : vector<1x1x1024x128xf32> to vector<1x1024x128xf32>
    %min3A_867 = arith.minimumf %squeeze3A_864, %squeeze3A_866 : vector<1x1024x128xf32>
    %slice3A_868 = vector.extract_strided_slice %reshape3A_862 {offsets = [0, 0, 0, 0], sizes = [1, 1, 1024, 128], strides = [1, 1, 1, 1]} : vector<1x2x1024x128xf32> to vector<1x1x1024x128xf32>
    %squeeze3A_869 = vector.shape_cast %slice3A_868 : vector<1x1x1024x128xf32> to vector<1x1024x128xf32>
    %slice3A_870 = vector.extract_strided_slice %reshape3A_862 {offsets = [0, 1, 0, 0], sizes = [1, 1, 1024, 128], strides = [1, 1, 1, 1]} : vector<1x2x1024x128xf32> to vector<1x1x1024x128xf32>
    %squeeze3A_871 = vector.shape_cast %slice3A_870 : vector<1x1x1024x128xf32> to vector<1x1024x128xf32>
    %max3A_872 = arith.maximumf %squeeze3A_869, %squeeze3A_871 : vector<1x1024x128xf32>
    %broadcast_in_dim3A_873 = vector.shape_cast %min3A_867 : vector<1x1024x128xf32> to vector<1x1x1024x128xf32>
    %broadcast_in_dim3A_874 = vector.shape_cast %max3A_872 : vector<1x1024x128xf32> to vector<1x1x1024x128xf32>
    %concatenate3A_875 = tpu.concatenate %broadcast_in_dim3A_873, %broadcast_in_dim3A_874 in 1 : vector<1x1x1024x128xf32>, vector<1x1x1024x128xf32> -> vector<1x2x1024x128xf32>
    %reshape3A_876 = vector.shape_cast %concatenate3A_875 : vector<1x2x1024x128xf32> to vector<2048x128xf32>
    %reshape3A_877 = vector.shape_cast %reshape3A_876 : vector<2048x128xf32> to vector<2x2x512x128xf32>
    %slice3A_878 = vector.extract_strided_slice %reshape3A_877 {offsets = [0, 0, 0, 0], sizes = [2, 1, 512, 128], strides = [1, 1, 1, 1]} : vector<2x2x512x128xf32> to vector<2x1x512x128xf32>
    %squeeze3A_879 = vector.shape_cast %slice3A_878 : vector<2x1x512x128xf32> to vector<2x512x128xf32>
    %slice3A_880 = vector.extract_strided_slice %reshape3A_877 {offsets = [0, 1, 0, 0], sizes = [2, 1, 512, 128], strides = [1, 1, 1, 1]} : vector<2x2x512x128xf32> to vector<2x1x512x128xf32>
    %squeeze3A_881 = vector.shape_cast %slice3A_880 : vector<2x1x512x128xf32> to vector<2x512x128xf32>
    %min3A_882 = arith.minimumf %squeeze3A_879, %squeeze3A_881 : vector<2x512x128xf32>
    %slice3A_883 = vector.extract_strided_slice %reshape3A_877 {offsets = [0, 0, 0, 0], sizes = [2, 1, 512, 128], strides = [1, 1, 1, 1]} : vector<2x2x512x128xf32> to vector<2x1x512x128xf32>
    %squeeze3A_884 = vector.shape_cast %slice3A_883 : vector<2x1x512x128xf32> to vector<2x512x128xf32>
    %slice3A_885 = vector.extract_strided_slice %reshape3A_877 {offsets = [0, 1, 0, 0], sizes = [2, 1, 512, 128], strides = [1, 1, 1, 1]} : vector<2x2x512x128xf32> to vector<2x1x512x128xf32>
    %squeeze3A_886 = vector.shape_cast %slice3A_885 : vector<2x1x512x128xf32> to vector<2x512x128xf32>
    %max3A_887 = arith.maximumf %squeeze3A_884, %squeeze3A_886 : vector<2x512x128xf32>
    %broadcast_in_dim3A_888 = vector.shape_cast %min3A_882 : vector<2x512x128xf32> to vector<2x1x512x128xf32>
    %broadcast_in_dim3A_889 = vector.shape_cast %max3A_887 : vector<2x512x128xf32> to vector<2x1x512x128xf32>
    %concatenate3A_890 = tpu.concatenate %broadcast_in_dim3A_888, %broadcast_in_dim3A_889 in 1 : vector<2x1x512x128xf32>, vector<2x1x512x128xf32> -> vector<2x2x512x128xf32>
    %reshape3A_891 = vector.shape_cast %concatenate3A_890 : vector<2x2x512x128xf32> to vector<2048x128xf32>
    %reshape3A_892 = vector.shape_cast %reshape3A_891 : vector<2048x128xf32> to vector<4x2x256x128xf32>
    %slice3A_893 = vector.extract_strided_slice %reshape3A_892 {offsets = [0, 0, 0, 0], sizes = [4, 1, 256, 128], strides = [1, 1, 1, 1]} : vector<4x2x256x128xf32> to vector<4x1x256x128xf32>
    %squeeze3A_894 = vector.shape_cast %slice3A_893 : vector<4x1x256x128xf32> to vector<4x256x128xf32>
    %slice3A_895 = vector.extract_strided_slice %reshape3A_892 {offsets = [0, 1, 0, 0], sizes = [4, 1, 256, 128], strides = [1, 1, 1, 1]} : vector<4x2x256x128xf32> to vector<4x1x256x128xf32>
    %squeeze3A_896 = vector.shape_cast %slice3A_895 : vector<4x1x256x128xf32> to vector<4x256x128xf32>
    %min3A_897 = arith.minimumf %squeeze3A_894, %squeeze3A_896 : vector<4x256x128xf32>
    %slice3A_898 = vector.extract_strided_slice %reshape3A_892 {offsets = [0, 0, 0, 0], sizes = [4, 1, 256, 128], strides = [1, 1, 1, 1]} : vector<4x2x256x128xf32> to vector<4x1x256x128xf32>
    %squeeze3A_899 = vector.shape_cast %slice3A_898 : vector<4x1x256x128xf32> to vector<4x256x128xf32>
    %slice3A_900 = vector.extract_strided_slice %reshape3A_892 {offsets = [0, 1, 0, 0], sizes = [4, 1, 256, 128], strides = [1, 1, 1, 1]} : vector<4x2x256x128xf32> to vector<4x1x256x128xf32>
    %squeeze3A_901 = vector.shape_cast %slice3A_900 : vector<4x1x256x128xf32> to vector<4x256x128xf32>
    %max3A_902 = arith.maximumf %squeeze3A_899, %squeeze3A_901 : vector<4x256x128xf32>
    %broadcast_in_dim3A_903 = vector.shape_cast %min3A_897 : vector<4x256x128xf32> to vector<4x1x256x128xf32>
    %broadcast_in_dim3A_904 = vector.shape_cast %max3A_902 : vector<4x256x128xf32> to vector<4x1x256x128xf32>
    %concatenate3A_905 = tpu.concatenate %broadcast_in_dim3A_903, %broadcast_in_dim3A_904 in 1 : vector<4x1x256x128xf32>, vector<4x1x256x128xf32> -> vector<4x2x256x128xf32>
    %reshape3A_906 = vector.shape_cast %concatenate3A_905 : vector<4x2x256x128xf32> to vector<2048x128xf32>
    %reshape3A_907 = vector.shape_cast %reshape3A_906 : vector<2048x128xf32> to vector<8x2x128x128xf32>
    %slice3A_908 = vector.extract_strided_slice %reshape3A_907 {offsets = [0, 0, 0, 0], sizes = [8, 1, 128, 128], strides = [1, 1, 1, 1]} : vector<8x2x128x128xf32> to vector<8x1x128x128xf32>
    %squeeze3A_909 = vector.shape_cast %slice3A_908 : vector<8x1x128x128xf32> to vector<8x128x128xf32>
    %slice3A_910 = vector.extract_strided_slice %reshape3A_907 {offsets = [0, 1, 0, 0], sizes = [8, 1, 128, 128], strides = [1, 1, 1, 1]} : vector<8x2x128x128xf32> to vector<8x1x128x128xf32>
    %squeeze3A_911 = vector.shape_cast %slice3A_910 : vector<8x1x128x128xf32> to vector<8x128x128xf32>
    %min3A_912 = arith.minimumf %squeeze3A_909, %squeeze3A_911 : vector<8x128x128xf32>
    %slice3A_913 = vector.extract_strided_slice %reshape3A_907 {offsets = [0, 0, 0, 0], sizes = [8, 1, 128, 128], strides = [1, 1, 1, 1]} : vector<8x2x128x128xf32> to vector<8x1x128x128xf32>
    %squeeze3A_914 = vector.shape_cast %slice3A_913 : vector<8x1x128x128xf32> to vector<8x128x128xf32>
    %slice3A_915 = vector.extract_strided_slice %reshape3A_907 {offsets = [0, 1, 0, 0], sizes = [8, 1, 128, 128], strides = [1, 1, 1, 1]} : vector<8x2x128x128xf32> to vector<8x1x128x128xf32>
    %squeeze3A_916 = vector.shape_cast %slice3A_915 : vector<8x1x128x128xf32> to vector<8x128x128xf32>
    %max3A_917 = arith.maximumf %squeeze3A_914, %squeeze3A_916 : vector<8x128x128xf32>
    %broadcast_in_dim3A_918 = vector.shape_cast %min3A_912 : vector<8x128x128xf32> to vector<8x1x128x128xf32>
    %broadcast_in_dim3A_919 = vector.shape_cast %max3A_917 : vector<8x128x128xf32> to vector<8x1x128x128xf32>
    %concatenate3A_920 = tpu.concatenate %broadcast_in_dim3A_918, %broadcast_in_dim3A_919 in 1 : vector<8x1x128x128xf32>, vector<8x1x128x128xf32> -> vector<8x2x128x128xf32>
    %reshape3A_921 = vector.shape_cast %concatenate3A_920 : vector<8x2x128x128xf32> to vector<2048x128xf32>
    %reshape3A_922 = vector.shape_cast %reshape3A_921 : vector<2048x128xf32> to vector<16x2x64x128xf32>
    %slice3A_923 = vector.extract_strided_slice %reshape3A_922 {offsets = [0, 0, 0, 0], sizes = [16, 1, 64, 128], strides = [1, 1, 1, 1]} : vector<16x2x64x128xf32> to vector<16x1x64x128xf32>
    %squeeze3A_924 = vector.shape_cast %slice3A_923 : vector<16x1x64x128xf32> to vector<16x64x128xf32>
    %slice3A_925 = vector.extract_strided_slice %reshape3A_922 {offsets = [0, 1, 0, 0], sizes = [16, 1, 64, 128], strides = [1, 1, 1, 1]} : vector<16x2x64x128xf32> to vector<16x1x64x128xf32>
    %squeeze3A_926 = vector.shape_cast %slice3A_925 : vector<16x1x64x128xf32> to vector<16x64x128xf32>
    %min3A_927 = arith.minimumf %squeeze3A_924, %squeeze3A_926 : vector<16x64x128xf32>
    %slice3A_928 = vector.extract_strided_slice %reshape3A_922 {offsets = [0, 0, 0, 0], sizes = [16, 1, 64, 128], strides = [1, 1, 1, 1]} : vector<16x2x64x128xf32> to vector<16x1x64x128xf32>
    %squeeze3A_929 = vector.shape_cast %slice3A_928 : vector<16x1x64x128xf32> to vector<16x64x128xf32>
    %slice3A_930 = vector.extract_strided_slice %reshape3A_922 {offsets = [0, 1, 0, 0], sizes = [16, 1, 64, 128], strides = [1, 1, 1, 1]} : vector<16x2x64x128xf32> to vector<16x1x64x128xf32>
    %squeeze3A_931 = vector.shape_cast %slice3A_930 : vector<16x1x64x128xf32> to vector<16x64x128xf32>
    %max3A_932 = arith.maximumf %squeeze3A_929, %squeeze3A_931 : vector<16x64x128xf32>
    %broadcast_in_dim3A_933 = vector.shape_cast %min3A_927 : vector<16x64x128xf32> to vector<16x1x64x128xf32>
    %broadcast_in_dim3A_934 = vector.shape_cast %max3A_932 : vector<16x64x128xf32> to vector<16x1x64x128xf32>
    %concatenate3A_935 = tpu.concatenate %broadcast_in_dim3A_933, %broadcast_in_dim3A_934 in 1 : vector<16x1x64x128xf32>, vector<16x1x64x128xf32> -> vector<16x2x64x128xf32>
    %reshape3A_936 = vector.shape_cast %concatenate3A_935 : vector<16x2x64x128xf32> to vector<2048x128xf32>
    %reshape3A_937 = vector.shape_cast %reshape3A_936 : vector<2048x128xf32> to vector<32x2x32x128xf32>
    %slice3A_938 = vector.extract_strided_slice %reshape3A_937 {offsets = [0, 0, 0, 0], sizes = [32, 1, 32, 128], strides = [1, 1, 1, 1]} : vector<32x2x32x128xf32> to vector<32x1x32x128xf32>
    %squeeze3A_939 = vector.shape_cast %slice3A_938 : vector<32x1x32x128xf32> to vector<32x32x128xf32>
    %slice3A_940 = vector.extract_strided_slice %reshape3A_937 {offsets = [0, 1, 0, 0], sizes = [32, 1, 32, 128], strides = [1, 1, 1, 1]} : vector<32x2x32x128xf32> to vector<32x1x32x128xf32>
    %squeeze3A_941 = vector.shape_cast %slice3A_940 : vector<32x1x32x128xf32> to vector<32x32x128xf32>
    %min3A_942 = arith.minimumf %squeeze3A_939, %squeeze3A_941 : vector<32x32x128xf32>
    %slice3A_943 = vector.extract_strided_slice %reshape3A_937 {offsets = [0, 0, 0, 0], sizes = [32, 1, 32, 128], strides = [1, 1, 1, 1]} : vector<32x2x32x128xf32> to vector<32x1x32x128xf32>
    %squeeze3A_944 = vector.shape_cast %slice3A_943 : vector<32x1x32x128xf32> to vector<32x32x128xf32>
    %slice3A_945 = vector.extract_strided_slice %reshape3A_937 {offsets = [0, 1, 0, 0], sizes = [32, 1, 32, 128], strides = [1, 1, 1, 1]} : vector<32x2x32x128xf32> to vector<32x1x32x128xf32>
    %squeeze3A_946 = vector.shape_cast %slice3A_945 : vector<32x1x32x128xf32> to vector<32x32x128xf32>
    %max3A_947 = arith.maximumf %squeeze3A_944, %squeeze3A_946 : vector<32x32x128xf32>
    %broadcast_in_dim3A_948 = vector.shape_cast %min3A_942 : vector<32x32x128xf32> to vector<32x1x32x128xf32>
    %broadcast_in_dim3A_949 = vector.shape_cast %max3A_947 : vector<32x32x128xf32> to vector<32x1x32x128xf32>
    %concatenate3A_950 = tpu.concatenate %broadcast_in_dim3A_948, %broadcast_in_dim3A_949 in 1 : vector<32x1x32x128xf32>, vector<32x1x32x128xf32> -> vector<32x2x32x128xf32>
    %reshape3A_951 = vector.shape_cast %concatenate3A_950 : vector<32x2x32x128xf32> to vector<2048x128xf32>
    %reshape3A_952 = vector.shape_cast %reshape3A_951 : vector<2048x128xf32> to vector<64x2x16x128xf32>
    %slice3A_953 = vector.extract_strided_slice %reshape3A_952 {offsets = [0, 0, 0, 0], sizes = [64, 1, 16, 128], strides = [1, 1, 1, 1]} : vector<64x2x16x128xf32> to vector<64x1x16x128xf32>
    %squeeze3A_954 = vector.shape_cast %slice3A_953 : vector<64x1x16x128xf32> to vector<64x16x128xf32>
    %slice3A_955 = vector.extract_strided_slice %reshape3A_952 {offsets = [0, 1, 0, 0], sizes = [64, 1, 16, 128], strides = [1, 1, 1, 1]} : vector<64x2x16x128xf32> to vector<64x1x16x128xf32>
    %squeeze3A_956 = vector.shape_cast %slice3A_955 : vector<64x1x16x128xf32> to vector<64x16x128xf32>
    %min3A_957 = arith.minimumf %squeeze3A_954, %squeeze3A_956 : vector<64x16x128xf32>
    %slice3A_958 = vector.extract_strided_slice %reshape3A_952 {offsets = [0, 0, 0, 0], sizes = [64, 1, 16, 128], strides = [1, 1, 1, 1]} : vector<64x2x16x128xf32> to vector<64x1x16x128xf32>
    %squeeze3A_959 = vector.shape_cast %slice3A_958 : vector<64x1x16x128xf32> to vector<64x16x128xf32>
    %slice3A_960 = vector.extract_strided_slice %reshape3A_952 {offsets = [0, 1, 0, 0], sizes = [64, 1, 16, 128], strides = [1, 1, 1, 1]} : vector<64x2x16x128xf32> to vector<64x1x16x128xf32>
    %squeeze3A_961 = vector.shape_cast %slice3A_960 : vector<64x1x16x128xf32> to vector<64x16x128xf32>
    %max3A_962 = arith.maximumf %squeeze3A_959, %squeeze3A_961 : vector<64x16x128xf32>
    %broadcast_in_dim3A_963 = vector.shape_cast %min3A_957 : vector<64x16x128xf32> to vector<64x1x16x128xf32>
    %broadcast_in_dim3A_964 = vector.shape_cast %max3A_962 : vector<64x16x128xf32> to vector<64x1x16x128xf32>
    %concatenate3A_965 = tpu.concatenate %broadcast_in_dim3A_963, %broadcast_in_dim3A_964 in 1 : vector<64x1x16x128xf32>, vector<64x1x16x128xf32> -> vector<64x2x16x128xf32>
    %reshape3A_966 = vector.shape_cast %concatenate3A_965 : vector<64x2x16x128xf32> to vector<2048x128xf32>
    %reshape3A_967 = vector.shape_cast %reshape3A_966 : vector<2048x128xf32> to vector<128x2x8x128xf32>
    %slice3A_968 = vector.extract_strided_slice %reshape3A_967 {offsets = [0, 0, 0, 0], sizes = [128, 1, 8, 128], strides = [1, 1, 1, 1]} : vector<128x2x8x128xf32> to vector<128x1x8x128xf32>
    %squeeze3A_969 = vector.shape_cast %slice3A_968 : vector<128x1x8x128xf32> to vector<128x8x128xf32>
    %slice3A_970 = vector.extract_strided_slice %reshape3A_967 {offsets = [0, 1, 0, 0], sizes = [128, 1, 8, 128], strides = [1, 1, 1, 1]} : vector<128x2x8x128xf32> to vector<128x1x8x128xf32>
    %squeeze3A_971 = vector.shape_cast %slice3A_970 : vector<128x1x8x128xf32> to vector<128x8x128xf32>
    %min3A_972 = arith.minimumf %squeeze3A_969, %squeeze3A_971 : vector<128x8x128xf32>
    %slice3A_973 = vector.extract_strided_slice %reshape3A_967 {offsets = [0, 0, 0, 0], sizes = [128, 1, 8, 128], strides = [1, 1, 1, 1]} : vector<128x2x8x128xf32> to vector<128x1x8x128xf32>
    %squeeze3A_974 = vector.shape_cast %slice3A_973 : vector<128x1x8x128xf32> to vector<128x8x128xf32>
    %slice3A_975 = vector.extract_strided_slice %reshape3A_967 {offsets = [0, 1, 0, 0], sizes = [128, 1, 8, 128], strides = [1, 1, 1, 1]} : vector<128x2x8x128xf32> to vector<128x1x8x128xf32>
    %squeeze3A_976 = vector.shape_cast %slice3A_975 : vector<128x1x8x128xf32> to vector<128x8x128xf32>
    %max3A_977 = arith.maximumf %squeeze3A_974, %squeeze3A_976 : vector<128x8x128xf32>
    %broadcast_in_dim3A_978 = vector.shape_cast %min3A_972 : vector<128x8x128xf32> to vector<128x1x8x128xf32>
    %broadcast_in_dim3A_979 = vector.shape_cast %max3A_977 : vector<128x8x128xf32> to vector<128x1x8x128xf32>
    %concatenate3A_980 = tpu.concatenate %broadcast_in_dim3A_978, %broadcast_in_dim3A_979 in 1 : vector<128x1x8x128xf32>, vector<128x1x8x128xf32> -> vector<128x2x8x128xf32>
    %reshape3A_981 = vector.shape_cast %concatenate3A_980 : vector<128x2x8x128xf32> to vector<2048x128xf32>
    %mul3A_982 = vector.broadcast %select_n3A_819 : vector<2048x1xf32> to vector<2048x128xf32>
    %mul3A_983 = arith.mulf %reshape3A_981, %mul3A_982 : vector<2048x128xf32>
    %slice3A_984 = vector.extract_strided_slice %mul3A_983 {offsets = [1, 0], sizes = [2047, 128], strides = [1, 1]} : vector<2048x128xf32> to vector<2047x128xf32>
    %slice3A_985 = vector.extract_strided_slice %mul3A_983 {offsets = [0, 0], sizes = [1, 128], strides = [1, 1]} : vector<2048x128xf32> to vector<1x128xf32>
    %concatenate3A_986 = tpu.concatenate %slice3A_984, %slice3A_985 in 0 : vector<2047x128xf32>, vector<1x128xf32> -> vector<2048x128xf32>
    %slice3A_987 = vector.extract_strided_slice %mul3A_983 {offsets = [2047, 0], sizes = [1, 128], strides = [1, 1]} : vector<2048x128xf32> to vector<1x128xf32>
    %slice3A_988 = vector.extract_strided_slice %mul3A_983 {offsets = [0, 0], sizes = [2047, 128], strides = [1, 1]} : vector<2048x128xf32> to vector<2047x128xf32>
    %concatenate3A_989 = tpu.concatenate %slice3A_987, %slice3A_988 in 0 : vector<1x128xf32>, vector<2047x128xf32> -> vector<2048x128xf32>
    %and3A_990 = arith.constant 1 : i32
    %and3A_991 = vector.broadcast %and3A_990 : i32 to vector<2048x1xi32>
    %and3A_992 = arith.andi %iota3A, %and3A_991 : vector<2048x1xi32>
    %eq3A_993 = arith.constant 0 : i32
    %eq3A_994 = vector.broadcast %eq3A_993 : i32 to vector<2048x1xi32>
    %eq3A_995 = arith.cmpi eq, %and3A_992, %eq3A_994 : vector<2048x1xi32>
    %broadcast_in_dim3A_996 = vector.shape_cast %eq3A_995 : vector<2048x1xi1> to vector<2048x1xi1>
    %broadcast_in_dim3A_997 = vector.broadcast %broadcast_in_dim3A_996 : vector<2048x1xi1> to vector<2048x128xi1>
    %select_n3A_998 = arith.select %broadcast_in_dim3A_997, %concatenate3A_986, %concatenate3A_989 : vector<2048x128xi1>, vector<2048x128xf32>
    %min3A_999 = arith.minimumf %mul3A_983, %select_n3A_998 : vector<2048x128xf32>
    %max3A_1000 = arith.maximumf %mul3A_983, %select_n3A_998 : vector<2048x128xf32>
    %broadcast_in_dim3A_1001 = vector.shape_cast %eq3A_995 : vector<2048x1xi1> to vector<2048x1xi1>
    %broadcast_in_dim3A_1002 = vector.broadcast %broadcast_in_dim3A_1001 : vector<2048x1xi1> to vector<2048x128xi1>
    %select_n3A_1003 = arith.select %broadcast_in_dim3A_1002, %min3A_999, %max3A_1000 : vector<2048x128xi1>, vector<2048x128xf32>
    %slice3A_1004 = vector.extract_strided_slice %select_n3A_1003 {offsets = [2, 0], sizes = [2046, 128], strides = [1, 1]} : vector<2048x128xf32> to vector<2046x128xf32>
    %slice3A_1005 = vector.extract_strided_slice %select_n3A_1003 {offsets = [0, 0], sizes = [2, 128], strides = [1, 1]} : vector<2048x128xf32> to vector<2x128xf32>
    %concatenate3A_1006 = tpu.concatenate %slice3A_1004, %slice3A_1005 in 0 : vector<2046x128xf32>, vector<2x128xf32> -> vector<2048x128xf32>
    %slice3A_1007 = vector.extract_strided_slice %select_n3A_1003 {offsets = [2046, 0], sizes = [2, 128], strides = [1, 1]} : vector<2048x128xf32> to vector<2x128xf32>
    %slice3A_1008 = vector.extract_strided_slice %select_n3A_1003 {offsets = [0, 0], sizes = [2046, 128], strides = [1, 1]} : vector<2048x128xf32> to vector<2046x128xf32>
    %concatenate3A_1009 = tpu.concatenate %slice3A_1007, %slice3A_1008 in 0 : vector<2x128xf32>, vector<2046x128xf32> -> vector<2048x128xf32>
    %and3A_1010 = arith.constant 2 : i32
    %and3A_1011 = vector.broadcast %and3A_1010 : i32 to vector<2048x1xi32>
    %and3A_1012 = arith.andi %iota3A, %and3A_1011 : vector<2048x1xi32>
    %eq3A_1013 = arith.constant 0 : i32
    %eq3A_1014 = vector.broadcast %eq3A_1013 : i32 to vector<2048x1xi32>
    %eq3A_1015 = arith.cmpi eq, %and3A_1012, %eq3A_1014 : vector<2048x1xi32>
    %broadcast_in_dim3A_1016 = vector.shape_cast %eq3A_1015 : vector<2048x1xi1> to vector<2048x1xi1>
    %broadcast_in_dim3A_1017 = vector.broadcast %broadcast_in_dim3A_1016 : vector<2048x1xi1> to vector<2048x128xi1>
    %select_n3A_1018 = arith.select %broadcast_in_dim3A_1017, %concatenate3A_1006, %concatenate3A_1009 : vector<2048x128xi1>, vector<2048x128xf32>
    %min3A_1019 = arith.minimumf %select_n3A_1003, %select_n3A_1018 : vector<2048x128xf32>
    %max3A_1020 = arith.maximumf %select_n3A_1003, %select_n3A_1018 : vector<2048x128xf32>
    %broadcast_in_dim3A_1021 = vector.shape_cast %eq3A_1015 : vector<2048x1xi1> to vector<2048x1xi1>
    %broadcast_in_dim3A_1022 = vector.broadcast %broadcast_in_dim3A_1021 : vector<2048x1xi1> to vector<2048x128xi1>
    %select_n3A_1023 = arith.select %broadcast_in_dim3A_1022, %min3A_1019, %max3A_1020 : vector<2048x128xi1>, vector<2048x128xf32>
    %slice3A_1024 = vector.extract_strided_slice %select_n3A_1023 {offsets = [4, 0], sizes = [2044, 128], strides = [1, 1]} : vector<2048x128xf32> to vector<2044x128xf32>
    %slice3A_1025 = vector.extract_strided_slice %select_n3A_1023 {offsets = [0, 0], sizes = [4, 128], strides = [1, 1]} : vector<2048x128xf32> to vector<4x128xf32>
    %concatenate3A_1026 = tpu.concatenate %slice3A_1024, %slice3A_1025 in 0 : vector<2044x128xf32>, vector<4x128xf32> -> vector<2048x128xf32>
    %slice3A_1027 = vector.extract_strided_slice %select_n3A_1023 {offsets = [2044, 0], sizes = [4, 128], strides = [1, 1]} : vector<2048x128xf32> to vector<4x128xf32>
    %slice3A_1028 = vector.extract_strided_slice %select_n3A_1023 {offsets = [0, 0], sizes = [2044, 128], strides = [1, 1]} : vector<2048x128xf32> to vector<2044x128xf32>
    %concatenate3A_1029 = tpu.concatenate %slice3A_1027, %slice3A_1028 in 0 : vector<4x128xf32>, vector<2044x128xf32> -> vector<2048x128xf32>
    %and3A_1030 = arith.constant 4 : i32
    %and3A_1031 = vector.broadcast %and3A_1030 : i32 to vector<2048x1xi32>
    %and3A_1032 = arith.andi %iota3A, %and3A_1031 : vector<2048x1xi32>
    %eq3A_1033 = arith.constant 0 : i32
    %eq3A_1034 = vector.broadcast %eq3A_1033 : i32 to vector<2048x1xi32>
    %eq3A_1035 = arith.cmpi eq, %and3A_1032, %eq3A_1034 : vector<2048x1xi32>
    %broadcast_in_dim3A_1036 = vector.shape_cast %eq3A_1035 : vector<2048x1xi1> to vector<2048x1xi1>
    %broadcast_in_dim3A_1037 = vector.broadcast %broadcast_in_dim3A_1036 : vector<2048x1xi1> to vector<2048x128xi1>
    %select_n3A_1038 = arith.select %broadcast_in_dim3A_1037, %concatenate3A_1026, %concatenate3A_1029 : vector<2048x128xi1>, vector<2048x128xf32>
    %min3A_1039 = arith.minimumf %select_n3A_1023, %select_n3A_1038 : vector<2048x128xf32>
    %max3A_1040 = arith.maximumf %select_n3A_1023, %select_n3A_1038 : vector<2048x128xf32>
    %broadcast_in_dim3A_1041 = vector.shape_cast %eq3A_1035 : vector<2048x1xi1> to vector<2048x1xi1>
    %broadcast_in_dim3A_1042 = vector.broadcast %broadcast_in_dim3A_1041 : vector<2048x1xi1> to vector<2048x128xi1>
    %select_n3A_1043 = arith.select %broadcast_in_dim3A_1042, %min3A_1039, %max3A_1040 : vector<2048x128xi1>, vector<2048x128xf32>
    %reshape3A_1044 = vector.shape_cast %select_n3A_1043 : vector<2048x128xf32> to vector<1x2x1024x128xf32>
    %slice3A_1045 = vector.extract_strided_slice %reshape3A_1044 {offsets = [0, 0, 0, 0], sizes = [1, 1, 1024, 128], strides = [1, 1, 1, 1]} : vector<1x2x1024x128xf32> to vector<1x1x1024x128xf32>
    %squeeze3A_1046 = vector.shape_cast %slice3A_1045 : vector<1x1x1024x128xf32> to vector<1x1024x128xf32>
    %slice3A_1047 = vector.extract_strided_slice %reshape3A_1044 {offsets = [0, 1, 0, 0], sizes = [1, 1, 1024, 128], strides = [1, 1, 1, 1]} : vector<1x2x1024x128xf32> to vector<1x1x1024x128xf32>
    %squeeze3A_1048 = vector.shape_cast %slice3A_1047 : vector<1x1x1024x128xf32> to vector<1x1024x128xf32>
    %min3A_1049 = arith.minimumf %squeeze3A_1046, %squeeze3A_1048 : vector<1x1024x128xf32>
    %slice3A_1050 = vector.extract_strided_slice %reshape3A_1044 {offsets = [0, 0, 0, 0], sizes = [1, 1, 1024, 128], strides = [1, 1, 1, 1]} : vector<1x2x1024x128xf32> to vector<1x1x1024x128xf32>
    %squeeze3A_1051 = vector.shape_cast %slice3A_1050 : vector<1x1x1024x128xf32> to vector<1x1024x128xf32>
    %slice3A_1052 = vector.extract_strided_slice %reshape3A_1044 {offsets = [0, 1, 0, 0], sizes = [1, 1, 1024, 128], strides = [1, 1, 1, 1]} : vector<1x2x1024x128xf32> to vector<1x1x1024x128xf32>
    %squeeze3A_1053 = vector.shape_cast %slice3A_1052 : vector<1x1x1024x128xf32> to vector<1x1024x128xf32>
    %max3A_1054 = arith.maximumf %squeeze3A_1051, %squeeze3A_1053 : vector<1x1024x128xf32>
    %broadcast_in_dim3A_1055 = vector.shape_cast %min3A_1049 : vector<1x1024x128xf32> to vector<1x1x1024x128xf32>
    %broadcast_in_dim3A_1056 = vector.shape_cast %max3A_1054 : vector<1x1024x128xf32> to vector<1x1x1024x128xf32>
    %concatenate3A_1057 = tpu.concatenate %broadcast_in_dim3A_1055, %broadcast_in_dim3A_1056 in 1 : vector<1x1x1024x128xf32>, vector<1x1x1024x128xf32> -> vector<1x2x1024x128xf32>
    %reshape3A_1058 = vector.shape_cast %concatenate3A_1057 : vector<1x2x1024x128xf32> to vector<2048x128xf32>
    %reshape3A_1059 = vector.shape_cast %reshape3A_1058 : vector<2048x128xf32> to vector<2x2x512x128xf32>
    %slice3A_1060 = vector.extract_strided_slice %reshape3A_1059 {offsets = [0, 0, 0, 0], sizes = [2, 1, 512, 128], strides = [1, 1, 1, 1]} : vector<2x2x512x128xf32> to vector<2x1x512x128xf32>
    %squeeze3A_1061 = vector.shape_cast %slice3A_1060 : vector<2x1x512x128xf32> to vector<2x512x128xf32>
    %slice3A_1062 = vector.extract_strided_slice %reshape3A_1059 {offsets = [0, 1, 0, 0], sizes = [2, 1, 512, 128], strides = [1, 1, 1, 1]} : vector<2x2x512x128xf32> to vector<2x1x512x128xf32>
    %squeeze3A_1063 = vector.shape_cast %slice3A_1062 : vector<2x1x512x128xf32> to vector<2x512x128xf32>
    %min3A_1064 = arith.minimumf %squeeze3A_1061, %squeeze3A_1063 : vector<2x512x128xf32>
    %slice3A_1065 = vector.extract_strided_slice %reshape3A_1059 {offsets = [0, 0, 0, 0], sizes = [2, 1, 512, 128], strides = [1, 1, 1, 1]} : vector<2x2x512x128xf32> to vector<2x1x512x128xf32>
    %squeeze3A_1066 = vector.shape_cast %slice3A_1065 : vector<2x1x512x128xf32> to vector<2x512x128xf32>
    %slice3A_1067 = vector.extract_strided_slice %reshape3A_1059 {offsets = [0, 1, 0, 0], sizes = [2, 1, 512, 128], strides = [1, 1, 1, 1]} : vector<2x2x512x128xf32> to vector<2x1x512x128xf32>
    %squeeze3A_1068 = vector.shape_cast %slice3A_1067 : vector<2x1x512x128xf32> to vector<2x512x128xf32>
    %max3A_1069 = arith.maximumf %squeeze3A_1066, %squeeze3A_1068 : vector<2x512x128xf32>
    %broadcast_in_dim3A_1070 = vector.shape_cast %min3A_1064 : vector<2x512x128xf32> to vector<2x1x512x128xf32>
    %broadcast_in_dim3A_1071 = vector.shape_cast %max3A_1069 : vector<2x512x128xf32> to vector<2x1x512x128xf32>
    %concatenate3A_1072 = tpu.concatenate %broadcast_in_dim3A_1070, %broadcast_in_dim3A_1071 in 1 : vector<2x1x512x128xf32>, vector<2x1x512x128xf32> -> vector<2x2x512x128xf32>
    %reshape3A_1073 = vector.shape_cast %concatenate3A_1072 : vector<2x2x512x128xf32> to vector<2048x128xf32>
    %reshape3A_1074 = vector.shape_cast %reshape3A_1073 : vector<2048x128xf32> to vector<4x2x256x128xf32>
    %slice3A_1075 = vector.extract_strided_slice %reshape3A_1074 {offsets = [0, 0, 0, 0], sizes = [4, 1, 256, 128], strides = [1, 1, 1, 1]} : vector<4x2x256x128xf32> to vector<4x1x256x128xf32>
    %squeeze3A_1076 = vector.shape_cast %slice3A_1075 : vector<4x1x256x128xf32> to vector<4x256x128xf32>
    %slice3A_1077 = vector.extract_strided_slice %reshape3A_1074 {offsets = [0, 1, 0, 0], sizes = [4, 1, 256, 128], strides = [1, 1, 1, 1]} : vector<4x2x256x128xf32> to vector<4x1x256x128xf32>
    %squeeze3A_1078 = vector.shape_cast %slice3A_1077 : vector<4x1x256x128xf32> to vector<4x256x128xf32>
    %min3A_1079 = arith.minimumf %squeeze3A_1076, %squeeze3A_1078 : vector<4x256x128xf32>
    %slice3A_1080 = vector.extract_strided_slice %reshape3A_1074 {offsets = [0, 0, 0, 0], sizes = [4, 1, 256, 128], strides = [1, 1, 1, 1]} : vector<4x2x256x128xf32> to vector<4x1x256x128xf32>
    %squeeze3A_1081 = vector.shape_cast %slice3A_1080 : vector<4x1x256x128xf32> to vector<4x256x128xf32>
    %slice3A_1082 = vector.extract_strided_slice %reshape3A_1074 {offsets = [0, 1, 0, 0], sizes = [4, 1, 256, 128], strides = [1, 1, 1, 1]} : vector<4x2x256x128xf32> to vector<4x1x256x128xf32>
    %squeeze3A_1083 = vector.shape_cast %slice3A_1082 : vector<4x1x256x128xf32> to vector<4x256x128xf32>
    %max3A_1084 = arith.maximumf %squeeze3A_1081, %squeeze3A_1083 : vector<4x256x128xf32>
    %broadcast_in_dim3A_1085 = vector.shape_cast %min3A_1079 : vector<4x256x128xf32> to vector<4x1x256x128xf32>
    %broadcast_in_dim3A_1086 = vector.shape_cast %max3A_1084 : vector<4x256x128xf32> to vector<4x1x256x128xf32>
    %concatenate3A_1087 = tpu.concatenate %broadcast_in_dim3A_1085, %broadcast_in_dim3A_1086 in 1 : vector<4x1x256x128xf32>, vector<4x1x256x128xf32> -> vector<4x2x256x128xf32>
    %reshape3A_1088 = vector.shape_cast %concatenate3A_1087 : vector<4x2x256x128xf32> to vector<2048x128xf32>
    %reshape3A_1089 = vector.shape_cast %reshape3A_1088 : vector<2048x128xf32> to vector<8x2x128x128xf32>
    %slice3A_1090 = vector.extract_strided_slice %reshape3A_1089 {offsets = [0, 0, 0, 0], sizes = [8, 1, 128, 128], strides = [1, 1, 1, 1]} : vector<8x2x128x128xf32> to vector<8x1x128x128xf32>
    %squeeze3A_1091 = vector.shape_cast %slice3A_1090 : vector<8x1x128x128xf32> to vector<8x128x128xf32>
    %slice3A_1092 = vector.extract_strided_slice %reshape3A_1089 {offsets = [0, 1, 0, 0], sizes = [8, 1, 128, 128], strides = [1, 1, 1, 1]} : vector<8x2x128x128xf32> to vector<8x1x128x128xf32>
    %squeeze3A_1093 = vector.shape_cast %slice3A_1092 : vector<8x1x128x128xf32> to vector<8x128x128xf32>
    %min3A_1094 = arith.minimumf %squeeze3A_1091, %squeeze3A_1093 : vector<8x128x128xf32>
    %slice3A_1095 = vector.extract_strided_slice %reshape3A_1089 {offsets = [0, 0, 0, 0], sizes = [8, 1, 128, 128], strides = [1, 1, 1, 1]} : vector<8x2x128x128xf32> to vector<8x1x128x128xf32>
    %squeeze3A_1096 = vector.shape_cast %slice3A_1095 : vector<8x1x128x128xf32> to vector<8x128x128xf32>
    %slice3A_1097 = vector.extract_strided_slice %reshape3A_1089 {offsets = [0, 1, 0, 0], sizes = [8, 1, 128, 128], strides = [1, 1, 1, 1]} : vector<8x2x128x128xf32> to vector<8x1x128x128xf32>
    %squeeze3A_1098 = vector.shape_cast %slice3A_1097 : vector<8x1x128x128xf32> to vector<8x128x128xf32>
    %max3A_1099 = arith.maximumf %squeeze3A_1096, %squeeze3A_1098 : vector<8x128x128xf32>
    %broadcast_in_dim3A_1100 = vector.shape_cast %min3A_1094 : vector<8x128x128xf32> to vector<8x1x128x128xf32>
    %broadcast_in_dim3A_1101 = vector.shape_cast %max3A_1099 : vector<8x128x128xf32> to vector<8x1x128x128xf32>
    %concatenate3A_1102 = tpu.concatenate %broadcast_in_dim3A_1100, %broadcast_in_dim3A_1101 in 1 : vector<8x1x128x128xf32>, vector<8x1x128x128xf32> -> vector<8x2x128x128xf32>
    %reshape3A_1103 = vector.shape_cast %concatenate3A_1102 : vector<8x2x128x128xf32> to vector<2048x128xf32>
    %reshape3A_1104 = vector.shape_cast %reshape3A_1103 : vector<2048x128xf32> to vector<16x2x64x128xf32>
    %slice3A_1105 = vector.extract_strided_slice %reshape3A_1104 {offsets = [0, 0, 0, 0], sizes = [16, 1, 64, 128], strides = [1, 1, 1, 1]} : vector<16x2x64x128xf32> to vector<16x1x64x128xf32>
    %squeeze3A_1106 = vector.shape_cast %slice3A_1105 : vector<16x1x64x128xf32> to vector<16x64x128xf32>
    %slice3A_1107 = vector.extract_strided_slice %reshape3A_1104 {offsets = [0, 1, 0, 0], sizes = [16, 1, 64, 128], strides = [1, 1, 1, 1]} : vector<16x2x64x128xf32> to vector<16x1x64x128xf32>
    %squeeze3A_1108 = vector.shape_cast %slice3A_1107 : vector<16x1x64x128xf32> to vector<16x64x128xf32>
    %min3A_1109 = arith.minimumf %squeeze3A_1106, %squeeze3A_1108 : vector<16x64x128xf32>
    %slice3A_1110 = vector.extract_strided_slice %reshape3A_1104 {offsets = [0, 0, 0, 0], sizes = [16, 1, 64, 128], strides = [1, 1, 1, 1]} : vector<16x2x64x128xf32> to vector<16x1x64x128xf32>
    %squeeze3A_1111 = vector.shape_cast %slice3A_1110 : vector<16x1x64x128xf32> to vector<16x64x128xf32>
    %slice3A_1112 = vector.extract_strided_slice %reshape3A_1104 {offsets = [0, 1, 0, 0], sizes = [16, 1, 64, 128], strides = [1, 1, 1, 1]} : vector<16x2x64x128xf32> to vector<16x1x64x128xf32>
    %squeeze3A_1113 = vector.shape_cast %slice3A_1112 : vector<16x1x64x128xf32> to vector<16x64x128xf32>
    %max3A_1114 = arith.maximumf %squeeze3A_1111, %squeeze3A_1113 : vector<16x64x128xf32>
    %broadcast_in_dim3A_1115 = vector.shape_cast %min3A_1109 : vector<16x64x128xf32> to vector<16x1x64x128xf32>
    %broadcast_in_dim3A_1116 = vector.shape_cast %max3A_1114 : vector<16x64x128xf32> to vector<16x1x64x128xf32>
    %concatenate3A_1117 = tpu.concatenate %broadcast_in_dim3A_1115, %broadcast_in_dim3A_1116 in 1 : vector<16x1x64x128xf32>, vector<16x1x64x128xf32> -> vector<16x2x64x128xf32>
    %reshape3A_1118 = vector.shape_cast %concatenate3A_1117 : vector<16x2x64x128xf32> to vector<2048x128xf32>
    %reshape3A_1119 = vector.shape_cast %reshape3A_1118 : vector<2048x128xf32> to vector<32x2x32x128xf32>
    %slice3A_1120 = vector.extract_strided_slice %reshape3A_1119 {offsets = [0, 0, 0, 0], sizes = [32, 1, 32, 128], strides = [1, 1, 1, 1]} : vector<32x2x32x128xf32> to vector<32x1x32x128xf32>
    %squeeze3A_1121 = vector.shape_cast %slice3A_1120 : vector<32x1x32x128xf32> to vector<32x32x128xf32>
    %slice3A_1122 = vector.extract_strided_slice %reshape3A_1119 {offsets = [0, 1, 0, 0], sizes = [32, 1, 32, 128], strides = [1, 1, 1, 1]} : vector<32x2x32x128xf32> to vector<32x1x32x128xf32>
    %squeeze3A_1123 = vector.shape_cast %slice3A_1122 : vector<32x1x32x128xf32> to vector<32x32x128xf32>
    %min3A_1124 = arith.minimumf %squeeze3A_1121, %squeeze3A_1123 : vector<32x32x128xf32>
    %slice3A_1125 = vector.extract_strided_slice %reshape3A_1119 {offsets = [0, 0, 0, 0], sizes = [32, 1, 32, 128], strides = [1, 1, 1, 1]} : vector<32x2x32x128xf32> to vector<32x1x32x128xf32>
    %squeeze3A_1126 = vector.shape_cast %slice3A_1125 : vector<32x1x32x128xf32> to vector<32x32x128xf32>
    %slice3A_1127 = vector.extract_strided_slice %reshape3A_1119 {offsets = [0, 1, 0, 0], sizes = [32, 1, 32, 128], strides = [1, 1, 1, 1]} : vector<32x2x32x128xf32> to vector<32x1x32x128xf32>
    %squeeze3A_1128 = vector.shape_cast %slice3A_1127 : vector<32x1x32x128xf32> to vector<32x32x128xf32>
    %max3A_1129 = arith.maximumf %squeeze3A_1126, %squeeze3A_1128 : vector<32x32x128xf32>
    %broadcast_in_dim3A_1130 = vector.shape_cast %min3A_1124 : vector<32x32x128xf32> to vector<32x1x32x128xf32>
    %broadcast_in_dim3A_1131 = vector.shape_cast %max3A_1129 : vector<32x32x128xf32> to vector<32x1x32x128xf32>
    %concatenate3A_1132 = tpu.concatenate %broadcast_in_dim3A_1130, %broadcast_in_dim3A_1131 in 1 : vector<32x1x32x128xf32>, vector<32x1x32x128xf32> -> vector<32x2x32x128xf32>
    %reshape3A_1133 = vector.shape_cast %concatenate3A_1132 : vector<32x2x32x128xf32> to vector<2048x128xf32>
    %reshape3A_1134 = vector.shape_cast %reshape3A_1133 : vector<2048x128xf32> to vector<64x2x16x128xf32>
    %slice3A_1135 = vector.extract_strided_slice %reshape3A_1134 {offsets = [0, 0, 0, 0], sizes = [64, 1, 16, 128], strides = [1, 1, 1, 1]} : vector<64x2x16x128xf32> to vector<64x1x16x128xf32>
    %squeeze3A_1136 = vector.shape_cast %slice3A_1135 : vector<64x1x16x128xf32> to vector<64x16x128xf32>
    %slice3A_1137 = vector.extract_strided_slice %reshape3A_1134 {offsets = [0, 1, 0, 0], sizes = [64, 1, 16, 128], strides = [1, 1, 1, 1]} : vector<64x2x16x128xf32> to vector<64x1x16x128xf32>
    %squeeze3A_1138 = vector.shape_cast %slice3A_1137 : vector<64x1x16x128xf32> to vector<64x16x128xf32>
    %min3A_1139 = arith.minimumf %squeeze3A_1136, %squeeze3A_1138 : vector<64x16x128xf32>
    %slice3A_1140 = vector.extract_strided_slice %reshape3A_1134 {offsets = [0, 0, 0, 0], sizes = [64, 1, 16, 128], strides = [1, 1, 1, 1]} : vector<64x2x16x128xf32> to vector<64x1x16x128xf32>
    %squeeze3A_1141 = vector.shape_cast %slice3A_1140 : vector<64x1x16x128xf32> to vector<64x16x128xf32>
    %slice3A_1142 = vector.extract_strided_slice %reshape3A_1134 {offsets = [0, 1, 0, 0], sizes = [64, 1, 16, 128], strides = [1, 1, 1, 1]} : vector<64x2x16x128xf32> to vector<64x1x16x128xf32>
    %squeeze3A_1143 = vector.shape_cast %slice3A_1142 : vector<64x1x16x128xf32> to vector<64x16x128xf32>
    %max3A_1144 = arith.maximumf %squeeze3A_1141, %squeeze3A_1143 : vector<64x16x128xf32>
    %broadcast_in_dim3A_1145 = vector.shape_cast %min3A_1139 : vector<64x16x128xf32> to vector<64x1x16x128xf32>
    %broadcast_in_dim3A_1146 = vector.shape_cast %max3A_1144 : vector<64x16x128xf32> to vector<64x1x16x128xf32>
    %concatenate3A_1147 = tpu.concatenate %broadcast_in_dim3A_1145, %broadcast_in_dim3A_1146 in 1 : vector<64x1x16x128xf32>, vector<64x1x16x128xf32> -> vector<64x2x16x128xf32>
    %reshape3A_1148 = vector.shape_cast %concatenate3A_1147 : vector<64x2x16x128xf32> to vector<2048x128xf32>
    %reshape3A_1149 = vector.shape_cast %reshape3A_1148 : vector<2048x128xf32> to vector<128x2x8x128xf32>
    %slice3A_1150 = vector.extract_strided_slice %reshape3A_1149 {offsets = [0, 0, 0, 0], sizes = [128, 1, 8, 128], strides = [1, 1, 1, 1]} : vector<128x2x8x128xf32> to vector<128x1x8x128xf32>
    %squeeze3A_1151 = vector.shape_cast %slice3A_1150 : vector<128x1x8x128xf32> to vector<128x8x128xf32>
    %slice3A_1152 = vector.extract_strided_slice %reshape3A_1149 {offsets = [0, 1, 0, 0], sizes = [128, 1, 8, 128], strides = [1, 1, 1, 1]} : vector<128x2x8x128xf32> to vector<128x1x8x128xf32>
    %squeeze3A_1153 = vector.shape_cast %slice3A_1152 : vector<128x1x8x128xf32> to vector<128x8x128xf32>
    %min3A_1154 = arith.minimumf %squeeze3A_1151, %squeeze3A_1153 : vector<128x8x128xf32>
    %slice3A_1155 = vector.extract_strided_slice %reshape3A_1149 {offsets = [0, 0, 0, 0], sizes = [128, 1, 8, 128], strides = [1, 1, 1, 1]} : vector<128x2x8x128xf32> to vector<128x1x8x128xf32>
    %squeeze3A_1156 = vector.shape_cast %slice3A_1155 : vector<128x1x8x128xf32> to vector<128x8x128xf32>
    %slice3A_1157 = vector.extract_strided_slice %reshape3A_1149 {offsets = [0, 1, 0, 0], sizes = [128, 1, 8, 128], strides = [1, 1, 1, 1]} : vector<128x2x8x128xf32> to vector<128x1x8x128xf32>
    %squeeze3A_1158 = vector.shape_cast %slice3A_1157 : vector<128x1x8x128xf32> to vector<128x8x128xf32>
    %max3A_1159 = arith.maximumf %squeeze3A_1156, %squeeze3A_1158 : vector<128x8x128xf32>
    %broadcast_in_dim3A_1160 = vector.shape_cast %min3A_1154 : vector<128x8x128xf32> to vector<128x1x8x128xf32>
    %broadcast_in_dim3A_1161 = vector.shape_cast %max3A_1159 : vector<128x8x128xf32> to vector<128x1x8x128xf32>
    %concatenate3A_1162 = tpu.concatenate %broadcast_in_dim3A_1160, %broadcast_in_dim3A_1161 in 1 : vector<128x1x8x128xf32>, vector<128x1x8x128xf32> -> vector<128x2x8x128xf32>
    %reshape3A_1163 = vector.shape_cast %concatenate3A_1162 : vector<128x2x8x128xf32> to vector<2048x128xf32>
    %get3A_1164 = arith.constant 0 : index
    %get3A_1165 = arith.constant 0 : index
    %get3A_1166 = vector.load %arg3[%get3A_1164, %get3A_1165] : memref<2048x128xf32, #tpu.memory_space<vmem>>, vector<2048x128xf32>
    %mul3A_1167 = arith.mulf %reshape3A_1163, %get3A_1166 : vector<2048x128xf32>
    %reduce_sum3A = arith.constant dense<0.000000e+00> : vector<128xf32>
    %reduce_sum3A_1168 = vector.multi_reduction <add>, %mul3A_1167, %reduce_sum3A [0] : vector<2048x128xf32> to vector<128xf32>
    %neg3A_1169 = arith.constant 0.000000e+00 : f32
    %neg3A_1170 = vector.broadcast %neg3A_1169 : f32 to vector<128xf32>
    %neg3A_1171 = arith.subf %neg3A_1170, %reduce_sum3A_1168 : vector<128xf32>
    %swap3A = arith.constant 0 : index
    %swap3A_1172 = arith.constant 0 : index
    %swap3A_1173 = arith.constant 0 : index
    %swap3A_1174 = vector.load %arg4[%swap3A, %swap3A_1172, %swap3A_1173] : memref<1x1x128xf32, #tpu.memory_space<vmem>>, vector<1x1x128xf32>
    %swap3A_1175 = vector.shape_cast %swap3A_1174 : vector<1x1x128xf32> to vector<128xf32>
    %swap3A_1176 = vector.shape_cast %neg3A_1171 : vector<128xf32> to vector<1x1x128xf32>
    tpu.vector_store %arg4[%swap3A, %swap3A_1172, %swap3A_1173], %swap3A_1176 {strides = array<i32>} : memref<1x1x128xf32, #tpu.memory_space<vmem>>, vector<1x1x128xf32>,
    return
  }
  func.func @transform_0(%arg0: i32, %arg1: i32) -> (i32, i32, i32) {
    %c0_i32 = arith.constant 0 : i32
    %c0_i32_0 = arith.constant 0 : i32
    return %arg0, %c0_i32, %arg1 : i32, i32, i32
  }
  func.func @transform_1(%arg0: i32, %arg1: i32) -> (i32, i32) {
    %c0_i32 = arith.constant 0 : i32
    %c0_i32_0 = arith.constant 0 : i32
    return %c0_i32, %arg1 : i32, i32
  }
  func.func @transform_2(%arg0: i32, %arg1: i32) -> (i32, i32, i32) {
    %c0_i32 = arith.constant 0 : i32
    %c0_i32_0 = arith.constant 0 : i32
    return %arg0, %c0_i32, %arg1 : i32, i32, i32
  }
}

module attributes {stable_mosaic.version = 14 : i64} {
  func.func @_rho_kernel(%arg0: memref<4x1024xf32, #tpu.memory_space<vmem>>, %arg1: memref<1024x1024xf32, #tpu.memory_space<vmem>>, %arg2: memref<1x1024xf32, #tpu.memory_space<vmem>>, %arg3: memref<1024x1024xf32, #tpu.memory_space<vmem>>, %arg4: memref<1x1024xf32, #tpu.memory_space<vmem>>, %arg5: memref<4x1024xf32, #tpu.memory_space<vmem>>) attributes {dimension_semantics = [], scalar_prefetch = 0 : i64, scratch_operands = 0 : i64, tpu.core_type = #tpu.core_type<tc>} {
    %get3A = arith.constant 0 : index
    %get3A_0 = arith.constant 0 : index
    %get3A_1 = vector.load %arg0[%get3A, %get3A_0] : memref<4x1024xf32, #tpu.memory_space<vmem>>, vector<4x1024xf32>
    %get3A_2 = arith.constant 0 : index
    %get3A_3 = arith.constant 0 : index
    %get3A_4 = vector.load %arg1[%get3A_2, %get3A_3] : memref<1024x1024xf32, #tpu.memory_space<vmem>>, vector<1024x1024xf32>
    %dot_general3A = arith.constant dense<0.000000e+00> : vector<4x1024xf32>
    %dot_general3A_5 = tpu.matmul %get3A_1, %get3A_4, %dot_general3A {dimension_numbers = #tpu.dot_dimension_numbers<[1], [0], [0], [1], [0, 0, 1, 1], [], []>, transpose_lhs_hint = false} : vector<4x1024xf32>, vector<1024x1024xf32>, vector<4x1024xf32> -> vector<4x1024xf32>
    %get3A_6 = arith.constant 0 : index
    %get3A_7 = arith.constant 0 : index
    %get3A_8 = vector.load %arg2[%get3A_6, %get3A_7] : memref<1x1024xf32, #tpu.memory_space<vmem>>, vector<1x1024xf32>
    %add3A = vector.broadcast %get3A_8 : vector<1x1024xf32> to vector<4x1024xf32>
    %add3A_9 = arith.addf %dot_general3A_5, %add3A : vector<4x1024xf32>
    %max3A = arith.constant 0.000000e+00 : f32
    %max3A_10 = vector.broadcast %max3A : f32 to vector<4x1024xf32>
    %max3A_11 = arith.maximumf %add3A_9, %max3A_10 : vector<4x1024xf32>
    %get3A_12 = arith.constant 0 : index
    %get3A_13 = arith.constant 0 : index
    %get3A_14 = vector.load %arg3[%get3A_12, %get3A_13] : memref<1024x1024xf32, #tpu.memory_space<vmem>>, vector<1024x1024xf32>
    %dot_general3A_15 = arith.constant dense<0.000000e+00> : vector<4x1024xf32>
    %dot_general3A_16 = tpu.matmul %max3A_11, %get3A_14, %dot_general3A_15 {dimension_numbers = #tpu.dot_dimension_numbers<[1], [0], [0], [1], [0, 0, 1, 1], [], []>, transpose_lhs_hint = false} : vector<4x1024xf32>, vector<1024x1024xf32>, vector<4x1024xf32> -> vector<4x1024xf32>
    %get3A_17 = arith.constant 0 : index
    %get3A_18 = arith.constant 0 : index
    %get3A_19 = vector.load %arg4[%get3A_17, %get3A_18] : memref<1x1024xf32, #tpu.memory_space<vmem>>, vector<1x1024xf32>
    %add3A_20 = vector.broadcast %get3A_19 : vector<1x1024xf32> to vector<4x1024xf32>
    %add3A_21 = arith.addf %dot_general3A_16, %add3A_20 : vector<4x1024xf32>
    %swap3A = arith.constant 0 : index
    %swap3A_22 = arith.constant 0 : index
    %swap3A_23 = vector.load %arg5[%swap3A, %swap3A_22] : memref<4x1024xf32, #tpu.memory_space<vmem>>, vector<4x1024xf32>
    tpu.vector_store %arg5[%swap3A, %swap3A_22], %add3A_21 {strides = array<i32>} : memref<4x1024xf32, #tpu.memory_space<vmem>>, vector<4x1024xf32>,
    return
  }
}

</mosaic_0001>

<sc_bundles>
// kernel: gather_offload_async_start
scs
__scs_entry_jumppad:
0x0: {  	(pc) =	sbr.rel $0x88, $3  }
0x1: {  	(tag) =	ssettag $0x0;
	lr =	simm.s32 $0x1  }
0x2: {  	[smem:$0x3F97] =	sst lr;
	_ =	strace $0xD0000000  }
0x3: {  	_ = 	snop  }
0x4: {  	_ = 	snop  }
0x5: {  	_ = 	snop  }
0x6: {  	_ = 	snop  }
0x7: {  	_ = 	snop  }
__scs_overlays_trampoline_lowered:
0x8: {  	[smem:$0x3FA6] =	sst s0  }
0x9: {  	[smem:$0x3FA7] =	sst s1  }
0xa: {  	[smem:$0x3FA8] =	sst s2  }
0xb: {  	[smem:$0x3FA9] =	sst s3  }
0xc: {  	[smem:$0x3FAA] =	sst s4  }
0xd: {  	[smem:$0x3FAB] =	sst s5  }
0xe: {  	[smem:$0x3FAC] =	sst s6  }
0xf: {  	[smem:$0x3FAD] =	sst s7  }
0x10: {  	[smem:$0x3FAE] =	sst s8  }
0x11: {  	[smem:$0x3FAF] =	sst s9;
	s0 =	simm.s32 @!p0 $0x0  }
0x12: {  	s1 =	sld [smem:$0x3F95];
	s0 =	simm.s32 @p0 $0x1  }
0x13: {  	[smem:$0x3FB0] =	sst s0;
	s0 =	simm.s32 @!p1 $0x0  }
0x14: {  	s2 =	sld [smem:$0x3F94];
	s0 =	simm.s32 @p1 $0x1  }
0x15: {  	[smem:$0x3FB1] =	sst s0;
	s0 =	simm.s32 @!p2 $0x0  }
0x16: {  	s3 =	sld [smem:$0x3FDB];
	s0 =	simm.s32 @p2 $0x1  }
0x17: {  	s4 =	simm.s32 $0x1BF5;
	[smem:$0x3FB3] =	sst s0  }
0x18: {  	s0 =	sld [smem:$0x3F96];
	_ =	swait.ge [sflag:s4], $0x0  }
0x19: {  	s7 =	sld [smem:$0x3F97]  }
0x1a: {  	s8 =	sadd.s32 $0xFFFFE003, lr  }
0x1b: {  	s9 =	sadd.s32 $0xFFFFFEF7, lr;
	s5 =	simm.s32 $0xFFFFFFFF;
	p2 =	slt.u32 s8, $0xFFFFF086  }
0x1c: {  	p1 =	slt.u32 s9, $0xF7A;
	s5 =	simm.s32 @!p2 $0x0  }
0x1d: {  	s5 =	simm.s32 @p1 $0x1;
	p0 =	seq.s32 s7, s2  }
0x1e: {  	s7 =	smul.u32 @!p0 $0xF7A, s2;
	p2 =	seq.s32 @!p0 s5, $0x0  }
0x1f: {  	s9 =	smul.u32 $0xF7A, s1;
	s8 =	simm.s32 @!p0 $0x1BF5;
	p2 =	por !p2, p0  }
0x20: {  	[sflag:s8] =	ssyncset.s32 @!p0 $0xFFFFF086;
	s6 =	sadd.s32 @!p0 s3, s7;
	s7 =	simm.s32 @!p0 $0x108  }
0x21: {  	s3 =	sadd.s32 s3, s9;
	s6 =	sadd.s32 @!p0 $0x88, s6;
	s7 =	simm.s32 @p2 $0x1082  }
0x22: {  	[simem:s7], [sflag:s8] =	dma.local @!p0 [hbm:s6], $0xF7A  }
0x23: {  	s9 =	sor.u32 $0xD0000000, s2;
	s6 =	simm.s32 $0x108;
	_ =	swait.ge @!p0 [sflag:s8], $0x0  }
0x24: {  	s3 =	sadd.s32 $0x88, s3;
	s6 =	simm.s32 @!p1 $0x1082;
	[sflag:s4] =	ssyncset.s32 $0xFFFFF086  }
0x25: {  	[simem:s6], [sflag:s4] =	dma.local [hbm:s3], $0xF7A  }
0x26: {  	[smem:$0x3F97] =	sst s1;
	(tag) =	ssettag s2;
	_ =	strace s9  }
0x27: {  	s1 =	sld [smem:$0x3FA7]  }
0x28: {  	s2 =	sld [smem:$0x3FA8]  }
0x29: {  	s4 =	sld [smem:$0x3FAA]  }
0x2a: {  	p0 =	seq.s32 s5, $0x0;
	s5 =	sld [smem:$0x3FAB]  }
0x2b: {  	s6 =	sld [smem:$0x3FAC]  }
0x2c: {  	s7 =	sld [smem:$0x3FAD]  }
0x2d: {  	s3 =	simm.s32 $0x108;
	s8 =	sld [smem:$0x3FAE]  }
0x2e: {  	s3 =	simm.s32 @!p0 $0x1082;
	s9 =	sld [smem:$0x3FAF]  }
0x2f: {  	lr =	sadd.s32 s0, s3;
	s0 =	sld [smem:$0x3FA6]  }
0x30: {  	s3 =	sld [smem:$0x3FA9]  }
0x31: {  	[smem:$0x3FB2] =	sst s10  }
0x32: {  	s10 =	sld [smem:$0x3FB0];
	_ =	sdelay $0x3  }
0x33: {  	p0 =	seq.s32 s10, $0x1;
	s10 =	sld [smem:$0x3FB2];
	_ =	sdelay $0x3  }
0x34: {  	[smem:$0x3FB2] =	sst s10  }
0x35: {  	s10 =	sld [smem:$0x3FB1];
	_ =	sdelay $0x3  }
0x36: {  	p1 =	seq.s32 s10, $0x1;
	s10 =	sld [smem:$0x3FB2];
	_ =	sdelay $0x3  }
0x37: {  	[smem:$0x3FB2] =	sst s10  }
0x38: {  	s10 =	sld [smem:$0x3FB3]  }
0x39: {  	_ = 	snop;
	(pc) =	sbr.ind lr, $3  }
0x3a: {  	_ = 	snop  }
0x3b: {  	_ = 	snop  }
0x3c: {  	p2 =	seq.s32 s10, $0x1;
	s10 =	sld [smem:$0x3FB2]  }
0x3d: {  	_ =	shalt  }
0x3e: {  	_ =	shalt  }
0x3f: {  	_ =	shalt  }
0x40: {  	_ =	shalt  }
0x41: {  	_ =	shalt  }
0x42: {  	_ =	shalt  }
0x43: {  	_ =	shalt  }
0x44: {  	_ =	shalt  }
0x45: {  	_ =	shalt  }
0x46: {  	_ =	shalt  }
0x47: {  	_ =	shalt  }
0x48: {  	_ =	shalt  }
0x49: {  	_ =	shalt  }
0x4a: {  	_ =	shalt  }
0x4b: {  	_ =	shalt  }
0x4c: {  	_ =	shalt  }
0x4d: {  	_ =	shalt  }
0x4e: {  	_ =	shalt  }
0x4f: {  	_ =	shalt  }
0x50: {  	_ =	shalt  }
0x51: {  	_ =	shalt  }
0x52: {  	_ =	shalt  }
0x53: {  	_ =	shalt  }
0x54: {  	_ =	shalt  }
0x55: {  	_ =	shalt  }
0x56: {  	_ =	shalt  }
0x57: {  	_ =	shalt  }
0x58: {  	_ =	shalt  }
0x59: {  	_ =	shalt  }
0x5a: {  	_ =	shalt  }
0x5b: {  	_ =	shalt  }
0x5c: {  	_ =	shalt  }
0x5d: {  	_ =	shalt  }
0x5e: {  	_ =	shalt  }
0x5f: {  	_ =	shalt  }
0x60: {  	_ =	shalt  }
0x61: {  	_ =	shalt  }
0x62: {  	_ =	shalt  }
0x63: {  	_ =	shalt  }
0x64: {  	_ =	shalt  }
0x65: {  	_ =	shalt  }
0x66: {  	_ =	shalt  }
0x67: {  	_ =	shalt  }
0x68: {  	_ =	shalt  }
0x69: {  	_ =	shalt  }
0x6a: {  	_ =	shalt  }
0x6b: {  	_ =	shalt  }
0x6c: {  	_ =	shalt  }
0x6d: {  	_ =	shalt  }
0x6e: {  	_ =	shalt  }
0x6f: {  	_ =	shalt  }
0x70: {  	_ =	shalt  }
0x71: {  	_ =	shalt  }
0x72: {  	_ =	shalt  }
0x73: {  	_ =	shalt  }
0x74: {  	_ =	shalt  }
0x75: {  	_ =	shalt  }
0x76: {  	_ =	shalt  }
0x77: {  	_ =	shalt  }
0x78: {  	_ =	shalt  }
0x79: {  	_ =	shalt  }
0x7a: {  	_ =	shalt  }
0x7b: {  	_ =	shalt  }
0x7c: {  	_ =	shalt  }
0x7d: {  	_ =	shalt  }
0x7e: {  	_ =	shalt  }
0x7f: {  	_ =	shalt  }
0x80: {  	_ =	shalt  }
0x81: {  	_ =	shalt  }
0x82: {  	_ =	shalt  }
0x83: {  	_ =	shalt  }
0x84: {  	_ =	shalt  }
0x85: {  	_ =	shalt  }
0x86: {  	_ =	shalt  }
0x87: {  	_ =	shalt  }
.Lfunc_end0:
.L_simem_size_0:
called_computation_lowered:
.L_overlay_start_0:
0x88: {  	s2 =	sld [smem:$0x3FD9]  }
0x89: {  	s3 =	sld [smem:$0x3FFE];
	_ =	sdelay $0x1  }
0x8a: {  	s1 =	srdreg.scid  }
0x8b: {  	s0 =	sand.u32 $0x1, s1  }
0x8c: {  	s17 =	sshll.u32 s0, $0xA;
	s2 =	sadd.s32 s3, s2  }
0x8d: {  	s2 =	sadd.s32 s2, s17  }
0x8e: {  	[smem:$0x3FBE] =	sst s2  }
0x8f: {  	_ = 	snop  }
0x90: {  	s2 =	sld [smem:$0x3FD0];
	(tm) =	ssettm $0x1  }
0x91: {  	s18 =	sld [smem:$0x3FFB];
	_ =	sdelay $0x3  }
0x92: {  	_ =	strace s18  }
0x93: {  	s3 =	sld [smem:$0x3FFC];
	_ =	sdelay $0x3  }
0x94: {  	_ =	strace s3  }
0x95: {  	s3 =	sld [smem:$0x3FFD];
	_ =	sdelay $0x3  }
0x96: {  	_ =	strace s3  }
0x97: {  	_ =	strace $0x8FFFFFFF  }
0x98: {  	s19 =	sld [smem:$0x3FDB];
	_ =	sdelay $0x1  }
0x99: {  	s4 =	simm.s32 $_scs_section_size  }
0x9a: {  	s5 =	simm.s32 $_size__tile_overlayer_lowered;
	s6 =	simm.s32 $_tile_overlayer_lowered  }
0x9b: {  	s22 =	simm.s32 $0x1BFF;
	s21 =	sshll.u32 s6, $0x1;
	s3 =	sadd.s32 s4, s19  }
0x9c: {  	s7 =	simm.s32 $0x0;
	s20 =	sshll.u32 s5, $0x1;
	s5 =	sadd.s32 s21, s3  }
0x9d: {  	[timem:s7], [sflag:s22] =	dma.local [hbm:s5], s20  }
0x9e: {  	_ =	swait.ge [sflag:s22], s20  }
0x9f: {  	s4 =	ssub.s32 $0x0, s20;
	[sflag:s22] =	ssyncset.done $0x0  }
0xa0: {  	[sflag:s22] =	ssyncadd.s32 s4;
	_ =	sdelay $0x1  }
0xa1: {  	s23 =	simm.s32 $0x1B8B  }
0xa2: {  	_ =	swait.ge [sflag:s23], $0x1  }
0xa3: {  	[sflag:s23] =	ssyncset.done $0x0  }
0xa4: {  	s25 =	simm.s32 $0x1B8E;
	s24 =	sld [smem:$0x3FFE];
	[sflag:s23] =	ssyncadd.s32 $0xFFFFFFFF  }
0xa5: {  	s26 =	simm.s32 $execute0_lowered;
	[smem:$0x3FD2] =	sst s25  }
0xa6: {  	s5 =	sshll.u32 s26, $0x1;
	_ =	strace $0x80000046;
	[dreg:$0x1] =	wrdreg $0xFFFFFFFF  }
0xa7: {  	s28 =	simm.s32 $_size_execute0_lowered;
	s3 =	sadd.s32 s3, s5;
	[dreg:$0x0] =	wrdreg $0x0  }
0xa8: {  	s5 =	sshll.u32 s28, $0x1;
	[dreg:$0x2] =	wrdreg s3  }
0xa9: {  	[dreg:$0x3] =	wrdreg s5  }
0xaa: {  	[dreg:$0x4] =	wrdreg $0xC0  }
0xab: {  	_ =	task [dreg:s7], $0x5FFFF  }
0xac: {  	[dreg:$0x1] =	wrdreg $0xFFFFFFFF  }
0xad: {  	[dreg:$0x0] =	wrdreg $0x60  }
0xae: {  	[dreg:$0x2] =	wrdreg s24  }
0xaf: {  	[dreg:$0x3] =	wrdreg s2  }
0xb0: {  	[dreg:$0x4] =	wrdreg $0x9  }
0xb1: {  	_ =	task.clear_ibuf [dreg:s7], $0x5FFFF;
	_ =	strace $0x90000046  }
0xb2: {  	s29 =	simm.s32 $0x9;
	_ =	strace $0x80000048  }
0xb3: {  	_ =	swait.ge [sflag:s29], $0x1  }
0xb4: {  	[sflag:s29] =	ssyncadd.s32 $0xFFFFFFFF  }
0xb5: {  	_ =	strace $0x90000048  }
0xb6: {  	_ =	sfence  }
0xb7: {  	s30 =	sld [smem:$0x0];
	_ =	sdelay $0x2  }
0xb8: {  	s31 =	sshll.u32 s1, $0xD;
	s1 =	sshrl.u32 s1, $0x2  }
0xb9: {  	s3 =	sand.u32 $0x4000, s31;
	s1 =	sadd.s32 s1, s30  }
0xba: {  	s0 =	sor.u32 s3, s0;
	s1 =	sshll.u32 s1, $0x11  }
0xbb: {  	s0 =	sor.u32 s1, s0  }
0xbc: {  	s0 =	sadd.s32 $0x8F2B, s0  }
0xbd: {  	[sflag:s0] =	ssyncadd.remote.s32 $0x1  }
0xbe: {  	_ =	sfence.sel $0xFFFF  }
0xbf: {  	[dreg:$0x0] =	wrdreg $0xFFFFFFFF;
	(pc) =	sbr.abs _section_cstart, $3  }
0xc0: {  	[dreg:$0x1] =	wrdreg $0xFFFFFFFF  }
0xc1: {  	_ =	task.clear_ibuf [dreg:s7], $0x2FFFF;
	_ =	strace $0x9FFFFFFF  }
0xc2: {  	(tm) =	ssettm $0x7FFFFFFF  }
0xc3: {  	_ =	shalt  }
tec
execute0_lowered:
.L_overlay_start_1:
0x0: {  	(tag) =	ssettag $0x1  }
0x1: {  	s7 =	rddreg [dreg:$0x0]  }
0x2: {  	s2 =	rddreg [dreg:$0x1]  }
0x3: {  	s0 =	rddreg [dreg:$0x2]  }
0x4: {  	s1 =	srdreg.scid;
	_ =	strace $0x80000047;
	s4 =	simm.s32 $0x1  }
0x5: {  	s9 =	simm.s32 $0x3;
	s11 =	simm.s32 $0x0;
	s5 =	sshll.u32 s1, $0x4  }
.Ltmp0:
0x6: {  	s1 =	stileid.u32;
	s5 =	sand.u32 $0x10, s5;
	(pc) =	sbr.rel .LBB2_1-.Ltmp0, $4  }
0x7: {  	p0 =	por $0x0, $0x0;
	s3 =	sadd.s32 $0x1E00, s7;
	s6 =	sor.u32 s1, s5  }
0x8: {  	[sflag:s4] =	ssyncpa.u1 $0x0;
	s5 =	simm.s32 $0x2;
	s6 =	sshll.u32 s6, $0x6  }
0x9: {  	s7 =	sadd.s32 $0x41E00, s7;
	[sflag:s5] =	ssyncpa.u1 $0x0;
	s8 =	sadd.s32 $0x40, s6  }
0xa: {  	vm0 =	vmmov $0xff;
	vm1 =	vcmask $0x3F20;
	[sflag:s9] =	ssyncpa.u1 $0x0;
	s10 =	smov.u32 s6;
	s9 =	simm.s32 $0x0  }
.LBB2_9:
0xb: {  	p1 =	slt.u32 s9, $0x2;
	s11 =	sadd.s32 $0x20, s10  }
0xc: {  	s13 =	smov.u32 s6;
	s9 =	sadd.s32 $0x1, s9;
	p2 =	slt.s32 s11, s8  }
0xd: {  	s13 =	smov.u32 @p2 s11;
	p2 =	sne.s32 s9, $0x4  }
.Ltmp1:
0xe: {  	_ = 	snop;
	(pc) =	sbr.rel @!p2 .LBB2_10-.Ltmp1, $4  }
0xf: {  	s12 =	simm.s32 @!p1 $0x3  }
0x10: {  	_ =	swait.ge @!p1 [sflag:s12], $0x8000  }
0x11: {  	p0 =	por !p0, !p0;
	[sflag:s12] =	ssyncset.done @!p1 $0x0  }
0x12: {  	s11 =	smov.u32 s10;
	s10 =	smov.u32 s13;
	[sflag:s12] =	ssyncadd.s32 @!p1 $0xFFFF8000  }
.LBB2_1:
0x13: {  	p1 =	sgt.u32 s9, $0x1  }
0x14: {  	s12 =	sshll.u32 @!p1 s9, $0x5;
	s13 =	sshrl.u32 @!p1 s10, $0x3  }
0x15: {  	s14 =	sand.u32 @!p1 $0x7, s10;
	s12 =	sxor.u32 @!p1 $0x20, s12;
	s13 =	sadd.s32 @!p1 s2, s13  }
0x16: {  	[tilespmem:s12], [sflag:$0x2] =	stream.linear.gather @!p1 [hbm4b:s13+s14], $0x20, $0x38;
	[tilespmem:$0x10040] =	vst v63  }
0x17: {  	p1 =	seq.s32 s9, $0x0  }
0x18: {  	p2 =	seq.s32 @!p1 s9, $0x3  }
0x19: {  	p1 =	por p1, p2  }
.Ltmp2:
0x1a: {  	_ = 	snop;
	(pc) =	sbr.rel @p1 .LBB2_9-.Ltmp2, $1  }
0x1b: {  	_ =	sdelay $0x3  }
0x1c: {  	s12 =	simm.s32 $0x1  }
0x1d: {  	_ =	swait.ge [sflag:s5], $0x20;
	s13 =	sand.u32 $0x1, s9;
	s12 =	simm.s32 @!p0 $0x0  }
0x1e: {  	s15 =	simm.s32 $0x0;
	p2 =	por $0x1, $0x1;
	s12 =	sshll.u32 s12, $0x11  }
0x1f: {  	[sflag:s5] =	ssyncset.done $0x0;
	s13 =	sshll.u32 s13, $0x5;
	s14 =	sshrl.u32 s12, $0x2  }
0x20: {  	[sflag:s5] =	ssyncadd.s32 $0xFFFFFFE0;
	s12 =	sor.u32 $0x40, s14;
	s14 =	sadd.s32 $0x40, s14  }
.LBB2_3:
0x21: {  	s16 =	sshll.u32 s15, $0x4  }
0x22: {  	s16 =	sand.u32 $0x3FFFFFF0, s16  }
0x23: {  	s16 =	sadd.s32 s16, s13  }
0x24: {  	v0 =	vld.msk [tilespmem:s16+$0x0 ss:$0x1], $0xffff;
	_ =	sdelay $0x4  }
0x25: {  	vm2 =	vgt.s32 v0, $0x0  }
0x26: {  	v0 =	vnsel vm2, $0x0, v0  }
0x27: {  	v0 =	vmin.u32 v0, $0x7FF  }
0x28: {  	v1 =	vshll.u32 v0, $0x7;
	v0 =	vshll.u32 v0, $0x4  }
0x29: {  	v1 =	vand.u32 $0x3FC00, v1;
	v0 =	vand.u32 $0x70, v0  }
0x2a: {  	v0 =	vor.u32 v0, v1  }
0x2b: {  	s31 =	sshll.u32 s15, $0x10  }
0x2c: {  	s15 =	sshra.s32 s31, $0x2  }
0x2d: {  	s15 =	sadd.s32 s15, s14  }
0x2e: {  	s17 =	sadd.s32 $0x0, s15  }
0x2f: {  	[tilespmem:s17], [sflag:$0x1] =	stream.indirect_vreg.gather [hbm:s3], $0x80, v0, vm0, $0x38;
	[tilespmem:$0x10040] =	vst v63  }
0x30: {  	p1 =	por p2, p2;
	s16 =	simm.s32 $0x1000;
	v1 =	vadd.s32 $0x80, v0;
	s17 =	sadd.s32 $0x2000, s17  }
.LBB2_4:
0x31: {  	[tilespmem:s17], [sflag:$0x1] =	stream.indirect_vreg.gather [hbm:s3], $0x80, v0, vm1, $0x38;
	[tilespmem:$0x10040] =	vst v63  }
0x32: {  	v0 =	vmov v1;
	s17 =	smov.u32 s16;
	p2 =	sne.s32 s16, $0x7000  }
.Ltmp3:
0x33: {  	s16 =	sadd.s32 $0x1000, s16;
	(pc) =	sbr.rel @p2 .LBB2_4-.Ltmp3, $4  }
0x34: {  	s17 =	sshra.s32 s17, $0x2  }
0x35: {  	s17 =	sadd.s32 s17, s15  }
0x36: {  	[tilespmem:s17], [sflag:$0x1] =	stream.indirect_vreg.gather [hbm:s3], $0x80, v1, vm0, $0x38;
	[tilespmem:$0x10040] =	vst v63  }
0x37: {  	s17 =	sadd.s32 $0x2000, s17;
	v1 =	vadd.s32 $0x80, v1  }
0x38: {  	_ = 	snop  }
.Ltmp4:
0x39: {  	_ = 	snop;
	(pc) =	sbr.rel @p1 .LBB2_3-.Ltmp4, $3  }
0x3a: {  	_ =	sdelay $0x1  }
0x3b: {  	[tilespmem:s17], [sflag:$0x1] =	stream.indirect_vreg.gather [hbm:s3], $0x80, v0, vm1, $0x38;
	[tilespmem:$0x10040] =	vst v63  }
0x3c: {  	s15 =	simm.s32 $0x1;
	p2 =	por $0x0, $0x0  }
0x3d: {  	s13 =	sshll.u32 s11, $0x7  }
0x3e: {  	s31 =	sshll.u32 s11, $0x4;
	s13 =	sand.u32 $0xFFFFFC00, s13  }
0x3f: {  	_ =	swait.ge [sflag:s4], $0x8000;
	s11 =	sand.u32 $0x70, s31;
	s13 =	sadd.s32 s13, s7  }
0x40: {  	s14 =	sadd.s32 $0x2000, s12;
	[sflag:s4] =	ssyncset.done $0x0;
	s11 =	sadd.s32 s11, s13  }
0x41: {  	[sflag:s4] =	ssyncadd.s32 $0xFFFF8000;
	s13 =	simm.s32 $0x400;
	s15 =	sadd.s32 $0x0, s11  }
.LBB2_7:
0x42: {  	[hbm:s15] =	stream.linear.scatter [tilespmem:s12], [sflag:$0x3], $0x2000, $0x38;
	[tilespmem:$0x10040] =	vst v63  }
0x43: {  	s15 =	smov.u32 s13;
	s12 =	smov.u32 s14;
	p1 =	sne.s32 s13, $0xC00  }
.Ltmp5:
0x44: {  	s13 =	sadd.s32 $0x400, s13;
	(pc) =	sbr.rel @p1 .LBB2_7-.Ltmp5, $2  }
0x45: {  	_ =	sdelay $0x2  }
0x46: {  	s14 =	sadd.s32 $0x2000, s14;
	s15 =	sadd.s32 s15, s11  }
.Ltmp6:
0x47: {  	(pc) =	sbr.rel .LBB2_9-.Ltmp6, $2  }
0x48: {  	_ =	sdelay $0x2  }
0x49: {  	[hbm:s15] =	stream.linear.scatter [tilespmem:s12], [sflag:$0x3], $0x2000, $0x38;
	[tilespmem:$0x10040] =	vst v63  }
.LBB2_10:
0x4a: {  	_ =	sfence.sel $0x180000  }
0x4b: {  	s2 =	simm.s32 $0x2;
	[bflag:$0x0] =	sbarrier.arrive $0xFFFF  }
0x4c: {  	s30 =	simm.s32 $0x3;
	[sflag:s2] =	ssyncpa.u1 $0x1  }
0x4d: {  	s31 =	simm.s32 $0x1;
	[sflag:s30] =	ssyncpa.u1 $0x1  }
0x4e: {  	[sflag:s31] =	ssyncpa.u1 $0x1  }
0x4f: {  	p0 =	sne.s32 s1, $0x0;
	_ =	strace $0x90000047  }
0x50: {  	s0 =	sadd.s32 @!p0 $0x100000, s0;
	[bflag:$0x2] =	sbarrier.arrive $0xFFFF  }
0x51: {  	[sflag:s0] =	ssyncadd.tile.s32 @!p0 $0x1;
	_ =	shalt  }
.Lfunc_end2:
_tile_overlayer_lowered:
.L_overlay_start_2:
0x52: {  	(tag) =	ssettag $0x2  }
0x53: {  	s0 =	rddreg [dreg:$0x0];
	s2 =	stileid.u32  }
0x54: {  	s1 =	rddreg [dreg:$0x1];
	p0 =	sne.s32 s2, $0x0  }
0x55: {  	s3 =	rddreg [dreg:$0x2];
	[bflag:$0x3] =	sbarrier.arrive $0xFFFF;
	s2 =	simm.s32 @!p0 $0x1C01  }
0x56: {  	[timem:s3], [sflag:s2] =	dma.local @!p0 [hbm:s0], s1  }
0x57: {  	s0 =	simm.s32 @!p0 $0x1  }
0x58: {  	_ =	swait.ge @!p0 [sflag:s0], s1  }
0x59: {  	s1 =	ssub.s32 @!p0 $0x0, s1;
	[sflag:s0] =	ssyncset.done @!p0 $0x0  }
0x5a: {  	[sflag:s0] =	ssyncadd.s32 @!p0 s1  }
0x5b: {  	[bflag:$0x3] =	sbarrier.arrive $0xFFFF  }
0x5c: {  	_ =	shalt  }

</sc_bundles>
